<compile_context>
chip_gen: v7x
topology: tpu7x:2x2x1
jax: 0.10.2.dev20260603
libtpu: 0.0.44.dev20260713+nightly
codegen_flags: <defaults>
</compile_context>

<pallas_src>
import functools

import jax
import jax.numpy as jnp
from jax import lax
from jax.experimental import pallas as pl
from jax.experimental.pallas import tpu as pltpu
from jax.experimental.pallas import tpu_sc as plsc

TILE = 384
SUB = 128


def _row_gather_call(table, idx, n_out, d):
    info = plsc.get_sparse_core_info()
    nc, ns = info.num_cores, info.num_subcores
    nw = nc * ns
    bpw = n_out // nw
    mesh = plsc.VectorSubcoreMesh(core_axis_name="c", subcore_axis_name="s")

    @functools.partial(
        pl.kernel,
        mesh=mesh,
        out_type=jax.ShapeDtypeStruct((n_out, d), jnp.float32),
        scratch_types=[
            pltpu.VMEM((bpw,), jnp.int32),
            pltpu.VMEM((bpw, d), jnp.float32),
            pltpu.SemaphoreType.DMA,
        ],
    )
    def gather_k(table_hbm, idx_hbm, out_hbm, idx_v, rows_v, sem):
        wid = lax.axis_index("s") * nc + lax.axis_index("c")
        base = wid * bpw
        pltpu.sync_copy(idx_hbm.at[pl.ds(base, bpw)], idx_v)
        pltpu.async_copy(table_hbm.at[idx_v], rows_v, sem).wait()
        pltpu.sync_copy(rows_v, out_hbm.at[pl.ds(base, bpw)])

    return gather_k(table, idx)


def _row_scatter_call(values, idx, n_out, d):
    n_in = values.shape[0]
    info = plsc.get_sparse_core_info()
    nc, ns = info.num_cores, info.num_subcores
    nw = nc * ns
    bpw = n_in // nw
    mesh = plsc.VectorSubcoreMesh(core_axis_name="c", subcore_axis_name="s")

    @functools.partial(
        pl.kernel,
        mesh=mesh,
        out_type=jax.ShapeDtypeStruct((n_out, d), values.dtype),
        scratch_types=[
            pltpu.VMEM((bpw,), jnp.int32),
            pltpu.VMEM((bpw, d), values.dtype),
            pltpu.SemaphoreType.DMA,
            pltpu.SemaphoreType.DMA,
        ],
    )
    def scatter_k(vals_hbm, idx_hbm, out_hbm, idx_v, rows_v, sem, sem2):
        wid = lax.axis_index("s") * nc + lax.axis_index("c")
        base = wid * bpw
        cp_idx = pltpu.async_copy(idx_hbm.at[pl.ds(base, bpw)], idx_v, sem2)
        cp_rows = pltpu.async_copy(vals_hbm.at[pl.ds(base, bpw)], rows_v, sem)
        cp_idx.wait()
        cp_rows.wait()
        pltpu.async_copy(rows_v, out_hbm.at[idx_v], sem).wait()

    return scatter_k(values, idx)


_SL, _LN = 16, 128


def _meta_kernel(idx_ref, pos_ref, sexp_ref, n_exp, n_subs):
    idx = idx_ref[...]
    lane = jax.lax.broadcasted_iota(jnp.int32, (_SL, _LN), 1)
    subl = jax.lax.broadcasted_iota(jnp.int32, (_SL, _LN), 0)
    pos_acc = jnp.zeros((_SL, _LN), jnp.int32)
    sexp = jnp.zeros((1, _LN), jnp.int32)
    sub_end = jnp.int32(0)
    for e in range(n_exp):
        m = (idx == e).astype(jnp.int32)
        p = m
        k = 1
        while k < _LN:
            p = p + jnp.where(lane >= k, jnp.roll(p, k, axis=1), 0)
            k *= 2
        rt = jax.lax.broadcast_in_dim(p[:, _LN - 1], (_SL, _LN), (0,))
        q = rt
        k = 1
        while k < _SL:
            q = q + jnp.where(subl >= k, jnp.roll(q, k, axis=0), 0)
            k *= 2
        ccum = p + (q - rt)
        count_e = jnp.max(q)
        row_start_e = sub_end * SUB
        pos_acc = pos_acc + m * (ccum - 1 + row_start_e)
        sub_end = sub_end + (count_e + SUB - 1) // SUB
        sexp = sexp + jnp.where(lane[0:1, :] >= sub_end, 1, 0)
    pos_ref[...] = pos_acc
    sexp_ref[...] = jnp.minimum(sexp, n_exp - 1)


def _matmul_tile_kernel(texp_ref, x_ref, w_ref, b_ref, o_ref):
    i = pl.program_id(0)
    n_sub_per_tile = TILE // SUB
    for j in range(n_sub_per_tile):
        e = texp_ref[0, n_sub_per_tile * i + j]
        o_ref[j * SUB:(j + 1) * SUB, :] = (
            jnp.dot(
                x_ref[j * SUB:(j + 1) * SUB, :],
                w_ref[e],
                preferred_element_type=jnp.float32,
            )
            + b_ref[e]
        )


def kernel(inputs, index, weight, bias):
    tokens, in_f = inputs.shape
    n_exp, _, out_f = weight.shape

    import math as _math

    align = TILE * 256 // _math.gcd(TILE, 256)
    p_rows = tokens + n_exp * (SUB - 1)
    p_rows = ((p_rows + align - 1) // align) * align
    n_tiles = p_rows // TILE
    n_subs = p_rows // SUB

    idx = index.astype(jnp.int32).reshape(_SL, _LN)
    pos2d, sexp_row = pl.pallas_call(
        functools.partial(_meta_kernel, n_exp=n_exp, n_subs=n_subs),
        out_shape=(
            jax.ShapeDtypeStruct((_SL, _LN), jnp.int32),
            jax.ShapeDtypeStruct((1, _LN), jnp.int32),
        ),
    )(idx)
    pos = pos2d.reshape(tokens)

    x_sorted = _row_scatter_call(inputs, pos, p_rows, in_f)

    grid_spec = pltpu.PrefetchScalarGridSpec(
        num_scalar_prefetch=1,
        grid=(n_tiles,),
        in_specs=[
            pl.BlockSpec((TILE, in_f), lambda i, texp: (i, 0)),
            pl.BlockSpec((n_exp, in_f, out_f), lambda i, texp: (0, 0, 0)),
            pl.BlockSpec((n_exp, out_f), lambda i, texp: (0, 0)),
        ],
        out_specs=pl.BlockSpec((TILE, out_f), lambda i, texp: (i, 0)),
    )
    y_sorted = pl.pallas_call(
        _matmul_tile_kernel,
        grid_spec=grid_spec,
        out_shape=jax.ShapeDtypeStruct((p_rows, out_f), jnp.float32),
    )(sexp_row, x_sorted, weight, bias)

    return _row_gather_call(y_sorted, pos, tokens, out_f)

# --- scband reference (transcript-rebuilt; emitter-appended) ---
"""Pipeline reference for scband-experts-5669356832625 (READ-ONLY COPY).

The authoritative reference and input builder live on the scoring server;
editing this copy changes nothing except your own understanding.
"""

import jax, jax.numpy as jnp
import numpy as np
import math

N_EXPERTS = 8
IN_F = 768
OUT_F = 768
TOKENS = 2048


def setup_inputs(seed: int = 0) -> dict:
    key = jax.random.key(seed)
    k1, k2, k3, k4 = jax.random.split(key, 4)
    inputs = jax.random.normal(k1, (TOKENS, IN_F), dtype=jnp.float32)
    index = jax.random.randint(k2, (TOKENS,), 0, N_EXPERTS, dtype=jnp.int32)
    # Xavier-uniform init per expert (matches torch.nn.init.xavier_uniform_)
    bw = math.sqrt(6.0 / (IN_F + OUT_F))
    weight = jax.random.uniform(k3, (N_EXPERTS, IN_F, OUT_F), minval=-bw, maxval=bw, dtype=jnp.float32)
    bb = 1.0 / math.sqrt(IN_F)
    bias = jax.random.uniform(k4, (N_EXPERTS, OUT_F), minval=-bb, maxval=bb, dtype=jnp.float32)
    return {"inputs": inputs, "index": index, "weight": weight, "bias": bias}


def reference(inputs, index, weight, bias):
    # Faithful to: weight_sample = weight[index]; prod = einsum('...i,...io->...o', inputs, weight_sample); out = prod + bias[index]
    # Mathematically identical one-hot contraction avoids materializing the [b, in, out] gathered tensor.
    onehot = jax.nn.one_hot(index, weight.shape[0], dtype=inputs.dtype)  # [b, E]
    per_expert = jnp.einsum('bi,eio->beo', inputs, weight)               # [b, E, out]
    prod = jnp.einsum('be,beo->bo', onehot, per_expert)                  # == einsum('bi,bio->bo', inputs, weight[index])
    bias_sample = jnp.take(bias, index, axis=0)                          # [b, out]
    return prod + bias_sample

if __name__ == "__main__":
    import jax
    _d = setup_inputs()
    print(jax.jit(kernel)(*tuple(_d.values())))

</pallas_src>

<mosaic_0001>
#map = affine_map<(d0, d1) -> (0, 0)>
#map1 = affine_map<(d0, d1) -> (0)>
module attributes {stable_mosaic.version = 14 : i64} {
  func.func @scatter_k(%arg0: i32, %arg1: i32, %arg2: memref<2048x768xf32, #tpu.memory_space<hbm>>, %arg3: memref<2048xi32, #tpu.memory_space<hbm>>, %arg4: memref<3072x768xf32, #tpu.memory_space<hbm>>, %arg5: memref<64xi32, #tpu.memory_space<vmem>>, %arg6: memref<64x768xf32, #tpu.memory_space<vmem>>, %arg7: memref<!tpu.dma_semaphore, #tpu.memory_space<semaphore_mem>>, %arg8: memref<!tpu.dma_semaphore, #tpu.memory_space<semaphore_mem>>) attributes {dimension_semantics = [#tpu.dimension_semantics<core_parallel>, #tpu.dimension_semantics<subcore_parallel>], iteration_bounds = array<i64: 2, 16>, scalar_prefetch = 0 : i64, scratch_operands = 4 : i64, tpu.core_type = #tpu.core_type<sc_vector_subcore>, window_params = [{transform_indices = #map}, {transform_indices = #map1}, {transform_indices = #map}]} {
    %mul3A = arith.constant 2 : i32
    %mul3A_0 = arith.muli %arg1, %mul3A : i32
    %add3A = arith.addi %mul3A_0, %arg0 : i32
    %mul3A_1 = arith.constant 64 : i32
    %mul3A_2 = arith.muli %add3A, %mul3A_1 : i32
    %dma_start3A = tpu.memref_slice %arg3[%mul3A_2] : memref<2048xi32, #tpu.memory_space<hbm>> -> memref<64xi32, #tpu.memory_space<hbm>>
    %dma_start3A_3 = tpu.memref_slice %arg3[%mul3A_2] : memref<2048xi32, #tpu.memory_space<hbm>> -> memref<64xi32, #tpu.memory_space<hbm>>
    tpu.enqueue_dma source(%dma_start3A_3 : memref<64xi32, #tpu.memory_space<hbm>>) target(%arg5 : memref<64xi32, #tpu.memory_space<vmem>>) target_semaphore(%arg8 : memref<!tpu.dma_semaphore, #tpu.memory_space<semaphore_mem>>)
    %dma_start3A_4 = arith.constant 0 : i32
    %dma_start3A_5 = tpu.memref_slice %arg2[%mul3A_2, %dma_start3A_4] : memref<2048x768xf32, #tpu.memory_space<hbm>> -> memref<64x768xf32, #tpu.memory_space<hbm>>
    %dma_start3A_6 = arith.constant 0 : i32
    %dma_start3A_7 = tpu.memref_slice %arg2[%mul3A_2, %dma_start3A_6] : memref<2048x768xf32, #tpu.memory_space<hbm>> -> memref<64x768xf32, #tpu.memory_space<hbm>>
    tpu.enqueue_dma source(%dma_start3A_7 : memref<64x768xf32, #tpu.memory_space<hbm>>) target(%arg6 : memref<64x768xf32, #tpu.memory_space<vmem>>) target_semaphore(%arg7 : memref<!tpu.dma_semaphore, #tpu.memory_space<semaphore_mem>>)
    %dma_wait3A = tpu.memref_slice %arg3[%mul3A_2] : memref<2048xi32, #tpu.memory_space<hbm>> -> memref<64xi32, #tpu.memory_space<hbm>>
    %dma_wait3A_8 = tpu.memref_slice %arg3[%mul3A_2] : memref<2048xi32, #tpu.memory_space<hbm>> -> memref<64xi32, #tpu.memory_space<hbm>>
    tpu.wait_dma2 semaphore(%arg8 : memref<!tpu.dma_semaphore, #tpu.memory_space<semaphore_mem>>) src(%dma_wait3A_8 : memref<64xi32, #tpu.memory_space<hbm>>) dst(%arg5 : memref<64xi32, #tpu.memory_space<vmem>>)
    %dma_wait3A_9 = arith.constant 0 : i32
    %dma_wait3A_10 = tpu.memref_slice %arg2[%mul3A_2, %dma_wait3A_9] : memref<2048x768xf32, #tpu.memory_space<hbm>> -> memref<64x768xf32, #tpu.memory_space<hbm>>
    %dma_wait3A_11 = arith.constant 0 : i32
    %dma_wait3A_12 = tpu.memref_slice %arg2[%mul3A_2, %dma_wait3A_11] : memref<2048x768xf32, #tpu.memory_space<hbm>> -> memref<64x768xf32, #tpu.memory_space<hbm>>
    tpu.wait_dma2 semaphore(%arg7 : memref<!tpu.dma_semaphore, #tpu.memory_space<semaphore_mem>>) src(%dma_wait3A_12 : memref<64x768xf32, #tpu.memory_space<hbm>>) dst(%arg6 : memref<64x768xf32, #tpu.memory_space<vmem>>)
    %dma_start3A_13 = arith.constant 0 : i32
    %dma_start3A_14 = arith.constant 0 : i32
    %dma_start3A_15 = tpu.memref_slice %arg4[%dma_start3A_13, %dma_start3A_14] : memref<3072x768xf32, #tpu.memory_space<hbm>> -> memref<3072x768xf32, #tpu.memory_space<hbm>>
    tpu.enqueue_indirect_dma source(%arg6 : memref<64x768xf32, #tpu.memory_space<vmem>>) target(%dma_start3A_15 : memref<3072x768xf32, #tpu.memory_space<hbm>>) offsets(%arg5 : memref<64xi32, #tpu.memory_space<vmem>>) semaphore(%arg7 : memref<!tpu.dma_semaphore, #tpu.memory_space<semaphore_mem>>)
    %dma_wait3A_16 = arith.constant 0 : i32
    %dma_wait3A_17 = arith.constant 0 : i32
    %dma_wait3A_18 = tpu.memref_slice %arg4[%dma_wait3A_16, %dma_wait3A_17] : memref<3072x768xf32, #tpu.memory_space<hbm>> -> memref<3072x768xf32, #tpu.memory_space<hbm>>
    tpu.wait_indirect_dma semaphore(%arg7 : memref<!tpu.dma_semaphore, #tpu.memory_space<semaphore_mem>>) src(%arg6 : memref<64x768xf32, #tpu.memory_space<vmem>>) dst(%dma_wait3A_18 : memref<3072x768xf32, #tpu.memory_space<hbm>>)
    return
  }
}

#map = affine_map<(d0, d1) -> (0, 0)>
#map1 = affine_map<(d0, d1) -> (0)>
module attributes {stable_mosaic.version = 14 : i64} {
  func.func @gather_k(%arg0: i32, %arg1: i32, %arg2: memref<3072x768xf32, #tpu.memory_space<hbm>>, %arg3: memref<2048xi32, #tpu.memory_space<hbm>>, %arg4: memref<2048x768xf32, #tpu.memory_space<hbm>>, %arg5: memref<64xi32, #tpu.memory_space<vmem>>, %arg6: memref<64x768xf32, #tpu.memory_space<vmem>>, %arg7: memref<!tpu.dma_semaphore, #tpu.memory_space<semaphore_mem>>) attributes {dimension_semantics = [#tpu.dimension_semantics<core_parallel>, #tpu.dimension_semantics<subcore_parallel>], iteration_bounds = array<i64: 2, 16>, scalar_prefetch = 0 : i64, scratch_operands = 3 : i64, tpu.core_type = #tpu.core_type<sc_vector_subcore>, window_params = [{transform_indices = #map}, {transform_indices = #map1}, {transform_indices = #map}]} {
    %mul3A = arith.constant 2 : i32
    %mul3A_0 = arith.muli %arg1, %mul3A : i32
    %add3A = arith.addi %mul3A_0, %arg0 : i32
    %mul3A_1 = arith.constant 64 : i32
    %mul3A_2 = arith.muli %add3A, %mul3A_1 : i32
    "tpu.region"() ({
      %run_scoped3A = tpu.sem_alloc : memref<!tpu.dma_semaphore, #tpu.memory_space<semaphore_mem>>
      %dma_start3A_7 = tpu.memref_slice %arg3[%mul3A_2] : memref<2048xi32, #tpu.memory_space<hbm>> -> memref<64xi32, #tpu.memory_space<hbm>>
      %dma_start3A_8 = tpu.memref_slice %arg3[%mul3A_2] : memref<2048xi32, #tpu.memory_space<hbm>> -> memref<64xi32, #tpu.memory_space<hbm>>
      tpu.enqueue_dma source(%dma_start3A_8 : memref<64xi32, #tpu.memory_space<hbm>>) target(%arg5 : memref<64xi32, #tpu.memory_space<vmem>>) target_semaphore(%run_scoped3A : memref<!tpu.dma_semaphore, #tpu.memory_space<semaphore_mem>>)
      %dma_wait3A_9 = tpu.memref_slice %arg3[%mul3A_2] : memref<2048xi32, #tpu.memory_space<hbm>> -> memref<64xi32, #tpu.memory_space<hbm>>
      %dma_wait3A_10 = tpu.memref_slice %arg3[%mul3A_2] : memref<2048xi32, #tpu.memory_space<hbm>> -> memref<64xi32, #tpu.memory_space<hbm>>
      tpu.wait_dma2 semaphore(%run_scoped3A : memref<!tpu.dma_semaphore, #tpu.memory_space<semaphore_mem>>) src(%dma_wait3A_10 : memref<64xi32, #tpu.memory_space<hbm>>) dst(%arg5 : memref<64xi32, #tpu.memory_space<vmem>>)
      tpu.yield
    }) : () -> ()
    %dma_start3A = arith.constant 0 : i32
    %dma_start3A_3 = arith.constant 0 : i32
    %dma_start3A_4 = tpu.memref_slice %arg2[%dma_start3A, %dma_start3A_3] : memref<3072x768xf32, #tpu.memory_space<hbm>> -> memref<3072x768xf32, #tpu.memory_space<hbm>>
    tpu.enqueue_indirect_dma source(%dma_start3A_4 : memref<3072x768xf32, #tpu.memory_space<hbm>>) target(%arg6 : memref<64x768xf32, #tpu.memory_space<vmem>>) offsets(%arg5 : memref<64xi32, #tpu.memory_space<vmem>>) semaphore(%arg7 : memref<!tpu.dma_semaphore, #tpu.memory_space<semaphore_mem>>)
    %dma_wait3A = arith.constant 0 : i32
    %dma_wait3A_5 = arith.constant 0 : i32
    %dma_wait3A_6 = tpu.memref_slice %arg2[%dma_wait3A, %dma_wait3A_5] : memref<3072x768xf32, #tpu.memory_space<hbm>> -> memref<3072x768xf32, #tpu.memory_space<hbm>>
    tpu.wait_indirect_dma semaphore(%arg7 : memref<!tpu.dma_semaphore, #tpu.memory_space<semaphore_mem>>) src(%dma_wait3A_6 : memref<3072x768xf32, #tpu.memory_space<hbm>>) dst(%arg6 : memref<64x768xf32, #tpu.memory_space<vmem>>)
    "tpu.region"() ({
      %run_scoped3A = tpu.sem_alloc : memref<!tpu.dma_semaphore, #tpu.memory_space<semaphore_mem>>
      %dma_start3A_7 = arith.constant 0 : i32
      %dma_start3A_8 = tpu.memref_slice %arg4[%mul3A_2, %dma_start3A_7] : memref<2048x768xf32, #tpu.memory_space<hbm>> -> memref<64x768xf32, #tpu.memory_space<hbm>>
      %dma_start3A_9 = arith.constant 0 : i32
      %dma_start3A_10 = tpu.memref_slice %arg4[%mul3A_2, %dma_start3A_9] : memref<2048x768xf32, #tpu.memory_space<hbm>> -> memref<64x768xf32, #tpu.memory_space<hbm>>
      tpu.enqueue_dma source(%arg6 : memref<64x768xf32, #tpu.memory_space<vmem>>) target(%dma_start3A_10 : memref<64x768xf32, #tpu.memory_space<hbm>>) target_semaphore(%run_scoped3A : memref<!tpu.dma_semaphore, #tpu.memory_space<semaphore_mem>>)
      %dma_wait3A_11 = arith.constant 0 : i32
      %dma_wait3A_12 = tpu.memref_slice %arg4[%mul3A_2, %dma_wait3A_11] : memref<2048x768xf32, #tpu.memory_space<hbm>> -> memref<64x768xf32, #tpu.memory_space<hbm>>
      %dma_wait3A_13 = arith.constant 0 : i32
      %dma_wait3A_14 = tpu.memref_slice %arg4[%mul3A_2, %dma_wait3A_13] : memref<2048x768xf32, #tpu.memory_space<hbm>> -> memref<64x768xf32, #tpu.memory_space<hbm>>
      tpu.wait_dma2 semaphore(%run_scoped3A : memref<!tpu.dma_semaphore, #tpu.memory_space<semaphore_mem>>) src(%arg6 : memref<64x768xf32, #tpu.memory_space<vmem>>) dst(%dma_wait3A_14 : memref<64x768xf32, #tpu.memory_space<hbm>>)
      tpu.yield
    }) : () -> ()
    return
  }
}

module attributes {stable_mosaic.version = 14 : i64} {
  func.func @_matmul_tile_kernel(%arg0: i32, %arg1: memref<1x128xi32, #tpu.memory_space<smem>>, %arg2: memref<384x768xf32, #tpu.memory_space<vmem>>, %arg3: memref<8x768x768xf32, #tpu.memory_space<vmem>>, %arg4: memref<8x768xf32, #tpu.memory_space<vmem>>, %arg5: memref<384x768xf32, #tpu.memory_space<vmem>>) attributes {dimension_semantics = [#tpu.dimension_semantics<arbitrary>], iteration_bounds = array<i64: 8>, scalar_prefetch = 1 : i64, scratch_operands = 0 : i64, tpu.core_type = #tpu.core_type<tc>, window_params = [{transform_indices = @transform_0, window_bounds = array<i64: 384, 768>}, {pipeline_mode = #tpu.pipeline_mode<synchronous>, transform_indices = @transform_1, window_bounds = array<i64: 8, 768, 768>}, {pipeline_mode = #tpu.pipeline_mode<synchronous>, transform_indices = @transform_2, window_bounds = array<i64: 8, 768>}, {transform_indices = @transform_3, window_bounds = array<i64: 384, 768>}]} {
    %mul3A = arith.constant 3 : i32
    %mul3A_0 = arith.muli %mul3A, %arg0 : i32
    %add3A = arith.constant 0 : i32
    %add3A_1 = arith.addi %mul3A_0, %add3A : i32
    %get3A = arith.constant 0 : index
    %get3A_2 = arith.index_cast %add3A_1 : i32 to index
    %get3A_3 = memref.load %arg1[%get3A, %get3A_2] : memref<1x128xi32, #tpu.memory_space<smem>>
    %get3A_4 = arith.constant 0 : index
    %get3A_5 = arith.constant 0 : index
    %get3A_6 = vector.load %arg2[%get3A_4, %get3A_5] : memref<384x768xf32, #tpu.memory_space<vmem>>, vector<128x768xf32>
    %get3A_7 = arith.index_cast %get3A_3 : i32 to index
    %get3A_8 = arith.constant 0 : index
    %get3A_9 = arith.constant 0 : index
    %get3A_10 = vector.load %arg3[%get3A_7, %get3A_8, %get3A_9] : memref<8x768x768xf32, #tpu.memory_space<vmem>>, vector<1x768x768xf32>
    %get3A_11 = vector.shape_cast %get3A_10 : vector<1x768x768xf32> to vector<768x768xf32>
    %dot_general3A = arith.constant dense<0.000000e+00> : vector<128x768xf32>
    %dot_general3A_12 = tpu.matmul %get3A_6, %get3A_11, %dot_general3A {dimension_numbers = #tpu.dot_dimension_numbers<[1], [0], [0], [1], [0, 0, 1, 1], [], []>, transpose_lhs_hint = false} : vector<128x768xf32>, vector<768x768xf32>, vector<128x768xf32> -> vector<128x768xf32>
    %get3A_13 = arith.index_cast %get3A_3 : i32 to index
    %get3A_14 = arith.constant 0 : index
    %get3A_15 = vector.load %arg4[%get3A_13, %get3A_14] : memref<8x768xf32, #tpu.memory_space<vmem>>, vector<1x768xf32>
    %get3A_16 = vector.shape_cast %get3A_15 : vector<1x768xf32> to vector<768xf32>
    %broadcast_in_dim3A = vector.shape_cast %get3A_16 : vector<768xf32> to vector<1x768xf32>
    %add3A_17 = vector.broadcast %broadcast_in_dim3A : vector<1x768xf32> to vector<128x768xf32>
    %add3A_18 = arith.addf %dot_general3A_12, %add3A_17 : vector<128x768xf32>
    %swap3A = arith.constant 0 : index
    %swap3A_19 = arith.constant 0 : index
    %swap3A_20 = vector.load %arg5[%swap3A, %swap3A_19] : memref<384x768xf32, #tpu.memory_space<vmem>>, vector<128x768xf32>
    tpu.vector_store %arg5[%swap3A, %swap3A_19], %add3A_18 {strides = array<i32>} : memref<384x768xf32, #tpu.memory_space<vmem>>, vector<128x768xf32>,
    %mul3A_21 = arith.constant 3 : i32
    %mul3A_22 = arith.muli %mul3A_21, %arg0 : i32
    %add3A_23 = arith.constant 1 : i32
    %add3A_24 = arith.addi %mul3A_22, %add3A_23 : i32
    %get3A_25 = arith.constant 0 : index
    %get3A_26 = arith.index_cast %add3A_24 : i32 to index
    %get3A_27 = memref.load %arg1[%get3A_25, %get3A_26] : memref<1x128xi32, #tpu.memory_space<smem>>
    %get3A_28 = arith.constant 128 : index
    %get3A_29 = arith.constant 0 : index
    %get3A_30 = vector.load %arg2[%get3A_28, %get3A_29] : memref<384x768xf32, #tpu.memory_space<vmem>>, vector<128x768xf32>
    %get3A_31 = arith.index_cast %get3A_27 : i32 to index
    %get3A_32 = arith.constant 0 : index
    %get3A_33 = arith.constant 0 : index
    %get3A_34 = vector.load %arg3[%get3A_31, %get3A_32, %get3A_33] : memref<8x768x768xf32, #tpu.memory_space<vmem>>, vector<1x768x768xf32>
    %get3A_35 = vector.shape_cast %get3A_34 : vector<1x768x768xf32> to vector<768x768xf32>
    %dot_general3A_36 = arith.constant dense<0.000000e+00> : vector<128x768xf32>
    %dot_general3A_37 = tpu.matmul %get3A_30, %get3A_35, %dot_general3A_36 {dimension_numbers = #tpu.dot_dimension_numbers<[1], [0], [0], [1], [0, 0, 1, 1], [], []>, transpose_lhs_hint = false} : vector<128x768xf32>, vector<768x768xf32>, vector<128x768xf32> -> vector<128x768xf32>
    %get3A_38 = arith.index_cast %get3A_27 : i32 to index
    %get3A_39 = arith.constant 0 : index
    %get3A_40 = vector.load %arg4[%get3A_38, %get3A_39] : memref<8x768xf32, #tpu.memory_space<vmem>>, vector<1x768xf32>
    %get3A_41 = vector.shape_cast %get3A_40 : vector<1x768xf32> to vector<768xf32>
    %broadcast_in_dim3A_42 = vector.shape_cast %get3A_41 : vector<768xf32> to vector<1x768xf32>
    %add3A_43 = vector.broadcast %broadcast_in_dim3A_42 : vector<1x768xf32> to vector<128x768xf32>
    %add3A_44 = arith.addf %dot_general3A_37, %add3A_43 : vector<128x768xf32>
    %swap3A_45 = arith.constant 128 : index
    %swap3A_46 = arith.constant 0 : index
    %swap3A_47 = vector.load %arg5[%swap3A_45, %swap3A_46] : memref<384x768xf32, #tpu.memory_space<vmem>>, vector<128x768xf32>
    tpu.vector_store %arg5[%swap3A_45, %swap3A_46], %add3A_44 {strides = array<i32>} : memref<384x768xf32, #tpu.memory_space<vmem>>, vector<128x768xf32>,
    %mul3A_48 = arith.constant 3 : i32
    %mul3A_49 = arith.muli %mul3A_48, %arg0 : i32
    %add3A_50 = arith.constant 2 : i32
    %add3A_51 = arith.addi %mul3A_49, %add3A_50 : i32
    %get3A_52 = arith.constant 0 : index
    %get3A_53 = arith.index_cast %add3A_51 : i32 to index
    %get3A_54 = memref.load %arg1[%get3A_52, %get3A_53] : memref<1x128xi32, #tpu.memory_space<smem>>
    %get3A_55 = arith.constant 256 : index
    %get3A_56 = arith.constant 0 : index
    %get3A_57 = vector.load %arg2[%get3A_55, %get3A_56] : memref<384x768xf32, #tpu.memory_space<vmem>>, vector<128x768xf32>
    %get3A_58 = arith.index_cast %get3A_54 : i32 to index
    %get3A_59 = arith.constant 0 : index
    %get3A_60 = arith.constant 0 : index
    %get3A_61 = vector.load %arg3[%get3A_58, %get3A_59, %get3A_60] : memref<8x768x768xf32, #tpu.memory_space<vmem>>, vector<1x768x768xf32>
    %get3A_62 = vector.shape_cast %get3A_61 : vector<1x768x768xf32> to vector<768x768xf32>
    %dot_general3A_63 = arith.constant dense<0.000000e+00> : vector<128x768xf32>
    %dot_general3A_64 = tpu.matmul %get3A_57, %get3A_62, %dot_general3A_63 {dimension_numbers = #tpu.dot_dimension_numbers<[1], [0], [0], [1], [0, 0, 1, 1], [], []>, transpose_lhs_hint = false} : vector<128x768xf32>, vector<768x768xf32>, vector<128x768xf32> -> vector<128x768xf32>
    %get3A_65 = arith.index_cast %get3A_54 : i32 to index
    %get3A_66 = arith.constant 0 : index
    %get3A_67 = vector.load %arg4[%get3A_65, %get3A_66] : memref<8x768xf32, #tpu.memory_space<vmem>>, vector<1x768xf32>
    %get3A_68 = vector.shape_cast %get3A_67 : vector<1x768xf32> to vector<768xf32>
    %broadcast_in_dim3A_69 = vector.shape_cast %get3A_68 : vector<768xf32> to vector<1x768xf32>
    %add3A_70 = vector.broadcast %broadcast_in_dim3A_69 : vector<1x768xf32> to vector<128x768xf32>
    %add3A_71 = arith.addf %dot_general3A_64, %add3A_70 : vector<128x768xf32>
    %swap3A_72 = arith.constant 256 : index
    %swap3A_73 = arith.constant 0 : index
    %swap3A_74 = vector.load %arg5[%swap3A_72, %swap3A_73] : memref<384x768xf32, #tpu.memory_space<vmem>>, vector<128x768xf32>
    tpu.vector_store %arg5[%swap3A_72, %swap3A_73], %add3A_71 {strides = array<i32>} : memref<384x768xf32, #tpu.memory_space<vmem>>, vector<128x768xf32>,
    return
  }
  func.func @transform_0(%arg0: i32, %arg1: memref<1x128xi32, #tpu.memory_space<smem>>) -> (i32, i32) {
    %c0_i32 = arith.constant 0 : i32
    %c0_i32_0 = arith.constant 0 : i32
    return %arg0, %c0_i32 : i32, i32
  }
  func.func @transform_1(%arg0: i32, %arg1: memref<1x128xi32, #tpu.memory_space<smem>>) -> (i32, i32, i32) {
    %c0_i32 = arith.constant 0 : i32
    %c0_i32_0 = arith.constant 0 : i32
    %c0_i32_1 = arith.constant 0 : i32
    %c0_i32_2 = arith.constant 0 : i32
    return %c0_i32, %c0_i32_0, %c0_i32_1 : i32, i32, i32
  }
  func.func @transform_2(%arg0: i32, %arg1: memref<1x128xi32, #tpu.memory_space<smem>>) -> (i32, i32) {
    %c0_i32 = arith.constant 0 : i32
    %c0_i32_0 = arith.constant 0 : i32
    %c0_i32_1 = arith.constant 0 : i32
    return %c0_i32, %c0_i32_0 : i32, i32
  }
  func.func @transform_3(%arg0: i32, %arg1: memref<1x128xi32, #tpu.memory_space<smem>>) -> (i32, i32) {
    %c0_i32 = arith.constant 0 : i32
    %c0_i32_0 = arith.constant 0 : i32
    return %arg0, %c0_i32 : i32, i32
  }
}

module attributes {stable_mosaic.version = 14 : i64} {
  func.func @_meta_kernel(%arg0: memref<16x128xi32, #tpu.memory_space<vmem>>, %arg1: memref<16x128xi32, #tpu.memory_space<vmem>>, %arg2: memref<1x128xi32, #tpu.memory_space<vmem>>) attributes {dimension_semantics = [], scalar_prefetch = 0 : i64, scratch_operands = 0 : i64, tpu.core_type = #tpu.core_type<tc>} {
    %get3A = arith.constant 0 : index
    %get3A_0 = arith.constant 0 : index
    %get3A_1 = vector.load %arg0[%get3A, %get3A_0] : memref<16x128xi32, #tpu.memory_space<vmem>>, vector<16x128xi32>
    %iota3A = tpu.iota {dimensions = array<i32: 1>} : vector<16x128xi32>
    %iota3A_2 = tpu.iota {dimensions = array<i32: 0>} : vector<16x128xi32>
    %broadcast_in_dim3A = arith.constant 0 : i32
    %broadcast_in_dim3A_3 = vector.broadcast %broadcast_in_dim3A : i32 to vector<16x128xi32>
    %broadcast_in_dim3A_4 = arith.constant 0 : i32
    %broadcast_in_dim3A_5 = vector.broadcast %broadcast_in_dim3A_4 : i32 to vector<1x128xi32>
    %eq3A = arith.constant 0 : i32
    %eq3A_6 = vector.broadcast %eq3A : i32 to vector<16x128xi32>
    %eq3A_7 = arith.cmpi eq, %get3A_1, %eq3A_6 : vector<16x128xi32>
    %convert_element_type3A = arith.extui %eq3A_7 : vector<16x128xi1> to vector<16x128xi32>
    %ge3A = arith.constant 1 : i32
    %ge3A_8 = vector.broadcast %ge3A : i32 to vector<16x128xi32>
    %ge3A_9 = arith.cmpi sge, %iota3A, %ge3A_8 : vector<16x128xi32>
    %slice3A = vector.extract_strided_slice %convert_element_type3A {offsets = [0, 127], sizes = [16, 1], strides = [1, 1]} : vector<16x128xi32> to vector<16x1xi32>
    %slice3A_10 = vector.extract_strided_slice %convert_element_type3A {offsets = [0, 0], sizes = [16, 127], strides = [1, 1]} : vector<16x128xi32> to vector<16x127xi32>
    %concatenate3A = tpu.concatenate %slice3A, %slice3A_10 in 1 : vector<16x1xi32>, vector<16x127xi32> -> vector<16x128xi32>
    %jit3A = arith.constant 0 : i32
    %broadcast_in_dim3A_11 = vector.broadcast %jit3A : i32 to vector<16x128xi32>
    %select_n3A = arith.select %ge3A_9, %concatenate3A, %broadcast_in_dim3A_11 : vector<16x128xi1>, vector<16x128xi32>
    %add3A = arith.addi %convert_element_type3A, %select_n3A : vector<16x128xi32>
    %ge3A_12 = arith.constant 2 : i32
    %ge3A_13 = vector.broadcast %ge3A_12 : i32 to vector<16x128xi32>
    %ge3A_14 = arith.cmpi sge, %iota3A, %ge3A_13 : vector<16x128xi32>
    %slice3A_15 = vector.extract_strided_slice %add3A {offsets = [0, 126], sizes = [16, 2], strides = [1, 1]} : vector<16x128xi32> to vector<16x2xi32>
    %slice3A_16 = vector.extract_strided_slice %add3A {offsets = [0, 0], sizes = [16, 126], strides = [1, 1]} : vector<16x128xi32> to vector<16x126xi32>
    %concatenate3A_17 = tpu.concatenate %slice3A_15, %slice3A_16 in 1 : vector<16x2xi32>, vector<16x126xi32> -> vector<16x128xi32>
    %jit3A_18 = arith.constant 0 : i32
    %broadcast_in_dim3A_19 = vector.broadcast %jit3A_18 : i32 to vector<16x128xi32>
    %select_n3A_20 = arith.select %ge3A_14, %concatenate3A_17, %broadcast_in_dim3A_19 : vector<16x128xi1>, vector<16x128xi32>
    %add3A_21 = arith.addi %add3A, %select_n3A_20 : vector<16x128xi32>
    %ge3A_22 = arith.constant 4 : i32
    %ge3A_23 = vector.broadcast %ge3A_22 : i32 to vector<16x128xi32>
    %ge3A_24 = arith.cmpi sge, %iota3A, %ge3A_23 : vector<16x128xi32>
    %slice3A_25 = vector.extract_strided_slice %add3A_21 {offsets = [0, 124], sizes = [16, 4], strides = [1, 1]} : vector<16x128xi32> to vector<16x4xi32>
    %slice3A_26 = vector.extract_strided_slice %add3A_21 {offsets = [0, 0], sizes = [16, 124], strides = [1, 1]} : vector<16x128xi32> to vector<16x124xi32>
    %concatenate3A_27 = tpu.concatenate %slice3A_25, %slice3A_26 in 1 : vector<16x4xi32>, vector<16x124xi32> -> vector<16x128xi32>
    %jit3A_28 = arith.constant 0 : i32
    %broadcast_in_dim3A_29 = vector.broadcast %jit3A_28 : i32 to vector<16x128xi32>
    %select_n3A_30 = arith.select %ge3A_24, %concatenate3A_27, %broadcast_in_dim3A_29 : vector<16x128xi1>, vector<16x128xi32>
    %add3A_31 = arith.addi %add3A_21, %select_n3A_30 : vector<16x128xi32>
    %ge3A_32 = arith.constant 8 : i32
    %ge3A_33 = vector.broadcast %ge3A_32 : i32 to vector<16x128xi32>
    %ge3A_34 = arith.cmpi sge, %iota3A, %ge3A_33 : vector<16x128xi32>
    %slice3A_35 = vector.extract_strided_slice %add3A_31 {offsets = [0, 120], sizes = [16, 8], strides = [1, 1]} : vector<16x128xi32> to vector<16x8xi32>
    %slice3A_36 = vector.extract_strided_slice %add3A_31 {offsets = [0, 0], sizes = [16, 120], strides = [1, 1]} : vector<16x128xi32> to vector<16x120xi32>
    %concatenate3A_37 = tpu.concatenate %slice3A_35, %slice3A_36 in 1 : vector<16x8xi32>, vector<16x120xi32> -> vector<16x128xi32>
    %jit3A_38 = arith.constant 0 : i32
    %broadcast_in_dim3A_39 = vector.broadcast %jit3A_38 : i32 to vector<16x128xi32>
    %select_n3A_40 = arith.select %ge3A_34, %concatenate3A_37, %broadcast_in_dim3A_39 : vector<16x128xi1>, vector<16x128xi32>
    %add3A_41 = arith.addi %add3A_31, %select_n3A_40 : vector<16x128xi32>
    %ge3A_42 = arith.constant 16 : i32
    %ge3A_43 = vector.broadcast %ge3A_42 : i32 to vector<16x128xi32>
    %ge3A_44 = arith.cmpi sge, %iota3A, %ge3A_43 : vector<16x128xi32>
    %slice3A_45 = vector.extract_strided_slice %add3A_41 {offsets = [0, 112], sizes = [16, 16], strides = [1, 1]} : vector<16x128xi32> to vector<16x16xi32>
    %slice3A_46 = vector.extract_strided_slice %add3A_41 {offsets = [0, 0], sizes = [16, 112], strides = [1, 1]} : vector<16x128xi32> to vector<16x112xi32>
    %concatenate3A_47 = tpu.concatenate %slice3A_45, %slice3A_46 in 1 : vector<16x16xi32>, vector<16x112xi32> -> vector<16x128xi32>
    %jit3A_48 = arith.constant 0 : i32
    %broadcast_in_dim3A_49 = vector.broadcast %jit3A_48 : i32 to vector<16x128xi32>
    %select_n3A_50 = arith.select %ge3A_44, %concatenate3A_47, %broadcast_in_dim3A_49 : vector<16x128xi1>, vector<16x128xi32>
    %add3A_51 = arith.addi %add3A_41, %select_n3A_50 : vector<16x128xi32>
    %ge3A_52 = arith.constant 32 : i32
    %ge3A_53 = vector.broadcast %ge3A_52 : i32 to vector<16x128xi32>
    %ge3A_54 = arith.cmpi sge, %iota3A, %ge3A_53 : vector<16x128xi32>
    %slice3A_55 = vector.extract_strided_slice %add3A_51 {offsets = [0, 96], sizes = [16, 32], strides = [1, 1]} : vector<16x128xi32> to vector<16x32xi32>
    %slice3A_56 = vector.extract_strided_slice %add3A_51 {offsets = [0, 0], sizes = [16, 96], strides = [1, 1]} : vector<16x128xi32> to vector<16x96xi32>
    %concatenate3A_57 = tpu.concatenate %slice3A_55, %slice3A_56 in 1 : vector<16x32xi32>, vector<16x96xi32> -> vector<16x128xi32>
    %jit3A_58 = arith.constant 0 : i32
    %broadcast_in_dim3A_59 = vector.broadcast %jit3A_58 : i32 to vector<16x128xi32>
    %select_n3A_60 = arith.select %ge3A_54, %concatenate3A_57, %broadcast_in_dim3A_59 : vector<16x128xi1>, vector<16x128xi32>
    %add3A_61 = arith.addi %add3A_51, %select_n3A_60 : vector<16x128xi32>
    %ge3A_62 = arith.constant 64 : i32
    %ge3A_63 = vector.broadcast %ge3A_62 : i32 to vector<16x128xi32>
    %ge3A_64 = arith.cmpi sge, %iota3A, %ge3A_63 : vector<16x128xi32>
    %slice3A_65 = vector.extract_strided_slice %add3A_61 {offsets = [0, 64], sizes = [16, 64], strides = [1, 1]} : vector<16x128xi32> to vector<16x64xi32>
    %slice3A_66 = vector.extract_strided_slice %add3A_61 {offsets = [0, 0], sizes = [16, 64], strides = [1, 1]} : vector<16x128xi32> to vector<16x64xi32>
    %concatenate3A_67 = tpu.concatenate %slice3A_65, %slice3A_66 in 1 : vector<16x64xi32>, vector<16x64xi32> -> vector<16x128xi32>
    %jit3A_68 = arith.constant 0 : i32
    %broadcast_in_dim3A_69 = vector.broadcast %jit3A_68 : i32 to vector<16x128xi32>
    %select_n3A_70 = arith.select %ge3A_64, %concatenate3A_67, %broadcast_in_dim3A_69 : vector<16x128xi1>, vector<16x128xi32>
    %add3A_71 = arith.addi %add3A_61, %select_n3A_70 : vector<16x128xi32>
    %slice3A_72 = vector.extract_strided_slice %add3A_71 {offsets = [0, 127], sizes = [16, 1], strides = [1, 1]} : vector<16x128xi32> to vector<16x1xi32>
    %squeeze3A = vector.shape_cast %slice3A_72 : vector<16x1xi32> to vector<16xi32>
    %broadcast_in_dim3A_73 = vector.shape_cast %squeeze3A : vector<16xi32> to vector<16x1xi32>
    %broadcast_in_dim3A_74 = vector.broadcast %broadcast_in_dim3A_73 : vector<16x1xi32> to vector<16x128xi32>
    %ge3A_75 = arith.constant 1 : i32
    %ge3A_76 = vector.broadcast %ge3A_75 : i32 to vector<16x128xi32>
    %ge3A_77 = arith.cmpi sge, %iota3A_2, %ge3A_76 : vector<16x128xi32>
    %slice3A_78 = vector.extract_strided_slice %broadcast_in_dim3A_74 {offsets = [15, 0], sizes = [1, 128], strides = [1, 1]} : vector<16x128xi32> to vector<1x128xi32>
    %slice3A_79 = vector.extract_strided_slice %broadcast_in_dim3A_74 {offsets = [0, 0], sizes = [15, 128], strides = [1, 1]} : vector<16x128xi32> to vector<15x128xi32>
    %concatenate3A_80 = tpu.concatenate %slice3A_78, %slice3A_79 in 0 : vector<1x128xi32>, vector<15x128xi32> -> vector<16x128xi32>
    %jit3A_81 = arith.constant 0 : i32
    %broadcast_in_dim3A_82 = vector.broadcast %jit3A_81 : i32 to vector<16x128xi32>
    %select_n3A_83 = arith.select %ge3A_77, %concatenate3A_80, %broadcast_in_dim3A_82 : vector<16x128xi1>, vector<16x128xi32>
    %add3A_84 = arith.addi %broadcast_in_dim3A_74, %select_n3A_83 : vector<16x128xi32>
    %ge3A_85 = arith.constant 2 : i32
    %ge3A_86 = vector.broadcast %ge3A_85 : i32 to vector<16x128xi32>
    %ge3A_87 = arith.cmpi sge, %iota3A_2, %ge3A_86 : vector<16x128xi32>
    %slice3A_88 = vector.extract_strided_slice %add3A_84 {offsets = [14, 0], sizes = [2, 128], strides = [1, 1]} : vector<16x128xi32> to vector<2x128xi32>
    %slice3A_89 = vector.extract_strided_slice %add3A_84 {offsets = [0, 0], sizes = [14, 128], strides = [1, 1]} : vector<16x128xi32> to vector<14x128xi32>
    %concatenate3A_90 = tpu.concatenate %slice3A_88, %slice3A_89 in 0 : vector<2x128xi32>, vector<14x128xi32> -> vector<16x128xi32>
    %jit3A_91 = arith.constant 0 : i32
    %broadcast_in_dim3A_92 = vector.broadcast %jit3A_91 : i32 to vector<16x128xi32>
    %select_n3A_93 = arith.select %ge3A_87, %concatenate3A_90, %broadcast_in_dim3A_92 : vector<16x128xi1>, vector<16x128xi32>
    %add3A_94 = arith.addi %add3A_84, %select_n3A_93 : vector<16x128xi32>
    %ge3A_95 = arith.constant 4 : i32
    %ge3A_96 = vector.broadcast %ge3A_95 : i32 to vector<16x128xi32>
    %ge3A_97 = arith.cmpi sge, %iota3A_2, %ge3A_96 : vector<16x128xi32>
    %slice3A_98 = vector.extract_strided_slice %add3A_94 {offsets = [12, 0], sizes = [4, 128], strides = [1, 1]} : vector<16x128xi32> to vector<4x128xi32>
    %slice3A_99 = vector.extract_strided_slice %add3A_94 {offsets = [0, 0], sizes = [12, 128], strides = [1, 1]} : vector<16x128xi32> to vector<12x128xi32>
    %concatenate3A_100 = tpu.concatenate %slice3A_98, %slice3A_99 in 0 : vector<4x128xi32>, vector<12x128xi32> -> vector<16x128xi32>
    %jit3A_101 = arith.constant 0 : i32
    %broadcast_in_dim3A_102 = vector.broadcast %jit3A_101 : i32 to vector<16x128xi32>
    %select_n3A_103 = arith.select %ge3A_97, %concatenate3A_100, %broadcast_in_dim3A_102 : vector<16x128xi1>, vector<16x128xi32>
    %add3A_104 = arith.addi %add3A_94, %select_n3A_103 : vector<16x128xi32>
    %ge3A_105 = arith.constant 8 : i32
    %ge3A_106 = vector.broadcast %ge3A_105 : i32 to vector<16x128xi32>
    %ge3A_107 = arith.cmpi sge, %iota3A_2, %ge3A_106 : vector<16x128xi32>
    %slice3A_108 = vector.extract_strided_slice %add3A_104 {offsets = [8, 0], sizes = [8, 128], strides = [1, 1]} : vector<16x128xi32> to vector<8x128xi32>
    %slice3A_109 = vector.extract_strided_slice %add3A_104 {offsets = [0, 0], sizes = [8, 128], strides = [1, 1]} : vector<16x128xi32> to vector<8x128xi32>
    %concatenate3A_110 = tpu.concatenate %slice3A_108, %slice3A_109 in 0 : vector<8x128xi32>, vector<8x128xi32> -> vector<16x128xi32>
    %jit3A_111 = arith.constant 0 : i32
    %broadcast_in_dim3A_112 = vector.broadcast %jit3A_111 : i32 to vector<16x128xi32>
    %select_n3A_113 = arith.select %ge3A_107, %concatenate3A_110, %broadcast_in_dim3A_112 : vector<16x128xi1>, vector<16x128xi32>
    %add3A_114 = arith.addi %add3A_104, %select_n3A_113 : vector<16x128xi32>
    %sub3A = arith.subi %add3A_114, %broadcast_in_dim3A_74 : vector<16x128xi32>
    %add3A_115 = arith.addi %add3A_71, %sub3A : vector<16x128xi32>
    %reduce_max3A = vector.shape_cast %add3A_114 : vector<16x128xi32> to vector<1x16x128xi32>
    %reduce_max3A_116 = arith.constant dense<-2147483648> : vector<1xi32>
    %reduce_max3A_117 = vector.multi_reduction <maxsi>, %reduce_max3A, %reduce_max3A_116 [1, 2] : vector<1x16x128xi32> to vector<1xi32>
    %reduce_max3A_118 = vector.shape_cast %reduce_max3A_117 : vector<1xi32> to vector<1x1x1xi32>
    %reduce_max3A_119 = vector.extract %reduce_max3A_118[0, 0, 0] : i32 from vector<1x1x1xi32>
    %mul3A = arith.constant 0 : i32
    %mul3A_120 = arith.constant 128 : i32
    %mul3A_121 = arith.muli %mul3A, %mul3A_120 : i32
    %sub3A_122 = arith.constant 1 : i32
    %sub3A_123 = vector.broadcast %sub3A_122 : i32 to vector<16x128xi32>
    %sub3A_124 = arith.subi %add3A_115, %sub3A_123 : vector<16x128xi32>
    %add3A_125 = vector.broadcast %mul3A_121 : i32 to vector<16x128xi32>
    %add3A_126 = arith.addi %sub3A_124, %add3A_125 : vector<16x128xi32>
    %mul3A_127 = arith.muli %convert_element_type3A, %add3A_126 : vector<16x128xi32>
    %add3A_128 = arith.addi %broadcast_in_dim3A_3, %mul3A_127 : vector<16x128xi32>
    %add3A_129 = arith.constant 128 : i32
    %add3A_130 = arith.addi %reduce_max3A_119, %add3A_129 : i32
    %sub3A_131 = arith.constant 1 : i32
    %sub3A_132 = arith.subi %add3A_130, %sub3A_131 : i32
    %jit3A_133 = arith.constant 128 : i32
    %div3A = arith.divsi %sub3A_132, %jit3A_133 : i32
    %sign3A = arith.constant 0 : i32
    %sign3A_134 = arith.cmpi sgt, %sub3A_132, %sign3A : i32
    %sign3A_135 = arith.extui %sign3A_134 : i1 to i32
    %sign3A_136 = arith.constant 0 : i32
    %sign3A_137 = arith.cmpi slt, %sub3A_132, %sign3A_136 : i32
    %sign3A_138 = arith.extui %sign3A_137 : i1 to i32
    %sign3A_139 = arith.subi %sign3A_135, %sign3A_138 : i32
    %sign3A_140 = arith.constant 0 : i32
    %sign3A_141 = arith.cmpi sgt, %jit3A_133, %sign3A_140 : i32
    %sign3A_142 = arith.extui %sign3A_141 : i1 to i32
    %sign3A_143 = arith.constant 0 : i32
    %sign3A_144 = arith.cmpi slt, %jit3A_133, %sign3A_143 : i32
    %sign3A_145 = arith.extui %sign3A_144 : i1 to i32
    %sign3A_146 = arith.subi %sign3A_142, %sign3A_145 : i32
    %ne3A = arith.cmpi ne, %sign3A_139, %sign3A_146 : i32
    %rem3A = arith.remsi %sub3A_132, %jit3A_133 : i32
    %ne3A_147 = arith.constant 0 : i32
    %ne3A_148 = arith.cmpi ne, %rem3A, %ne3A_147 : i32
    %and3A = arith.andi %ne3A, %ne3A_148 : i1
    %sub3A_149 = arith.constant 1 : i32
    %sub3A_150 = arith.subi %div3A, %sub3A_149 : i32
    %select_n3A_151 = arith.select %and3A, %sub3A_150, %div3A : i32
    %add3A_152 = arith.constant 0 : i32
    %add3A_153 = arith.addi %add3A_152, %select_n3A_151 : i32
    %slice3A_154 = vector.extract_strided_slice %iota3A {offsets = [0, 0], sizes = [1, 128], strides = [1, 1]} : vector<16x128xi32> to vector<1x128xi32>
    %ge3A_155 = vector.broadcast %add3A_153 : i32 to vector<1x128xi32>
    %ge3A_156 = arith.cmpi sge, %slice3A_154, %ge3A_155 : vector<1x128xi32>
    %jit3A_157 = arith.constant 1 : i32
    %jit3A_158 = arith.constant 0 : i32
    %broadcast_in_dim3A_159 = vector.broadcast %jit3A_157 : i32 to vector<1x128xi32>
    %broadcast_in_dim3A_160 = vector.broadcast %jit3A_158 : i32 to vector<1x128xi32>
    %select_n3A_161 = arith.select %ge3A_156, %broadcast_in_dim3A_159, %broadcast_in_dim3A_160 : vector<1x128xi1>, vector<1x128xi32>
    %add3A_162 = arith.addi %broadcast_in_dim3A_5, %select_n3A_161 : vector<1x128xi32>
    %eq3A_163 = arith.constant 1 : i32
    %eq3A_164 = vector.broadcast %eq3A_163 : i32 to vector<16x128xi32>
    %eq3A_165 = arith.cmpi eq, %get3A_1, %eq3A_164 : vector<16x128xi32>
    %convert_element_type3A_166 = arith.extui %eq3A_165 : vector<16x128xi1> to vector<16x128xi32>
    %ge3A_167 = arith.constant 1 : i32
    %ge3A_168 = vector.broadcast %ge3A_167 : i32 to vector<16x128xi32>
    %ge3A_169 = arith.cmpi sge, %iota3A, %ge3A_168 : vector<16x128xi32>
    %slice3A_170 = vector.extract_strided_slice %convert_element_type3A_166 {offsets = [0, 127], sizes = [16, 1], strides = [1, 1]} : vector<16x128xi32> to vector<16x1xi32>
    %slice3A_171 = vector.extract_strided_slice %convert_element_type3A_166 {offsets = [0, 0], sizes = [16, 127], strides = [1, 1]} : vector<16x128xi32> to vector<16x127xi32>
    %concatenate3A_172 = tpu.concatenate %slice3A_170, %slice3A_171 in 1 : vector<16x1xi32>, vector<16x127xi32> -> vector<16x128xi32>
    %jit3A_173 = arith.constant 0 : i32
    %broadcast_in_dim3A_174 = vector.broadcast %jit3A_173 : i32 to vector<16x128xi32>
    %select_n3A_175 = arith.select %ge3A_169, %concatenate3A_172, %broadcast_in_dim3A_174 : vector<16x128xi1>, vector<16x128xi32>
    %add3A_176 = arith.addi %convert_element_type3A_166, %select_n3A_175 : vector<16x128xi32>
    %ge3A_177 = arith.constant 2 : i32
    %ge3A_178 = vector.broadcast %ge3A_177 : i32 to vector<16x128xi32>
    %ge3A_179 = arith.cmpi sge, %iota3A, %ge3A_178 : vector<16x128xi32>
    %slice3A_180 = vector.extract_strided_slice %add3A_176 {offsets = [0, 126], sizes = [16, 2], strides = [1, 1]} : vector<16x128xi32> to vector<16x2xi32>
    %slice3A_181 = vector.extract_strided_slice %add3A_176 {offsets = [0, 0], sizes = [16, 126], strides = [1, 1]} : vector<16x128xi32> to vector<16x126xi32>
    %concatenate3A_182 = tpu.concatenate %slice3A_180, %slice3A_181 in 1 : vector<16x2xi32>, vector<16x126xi32> -> vector<16x128xi32>
    %jit3A_183 = arith.constant 0 : i32
    %broadcast_in_dim3A_184 = vector.broadcast %jit3A_183 : i32 to vector<16x128xi32>
    %select_n3A_185 = arith.select %ge3A_179, %concatenate3A_182, %broadcast_in_dim3A_184 : vector<16x128xi1>, vector<16x128xi32>
    %add3A_186 = arith.addi %add3A_176, %select_n3A_185 : vector<16x128xi32>
    %ge3A_187 = arith.constant 4 : i32
    %ge3A_188 = vector.broadcast %ge3A_187 : i32 to vector<16x128xi32>
    %ge3A_189 = arith.cmpi sge, %iota3A, %ge3A_188 : vector<16x128xi32>
    %slice3A_190 = vector.extract_strided_slice %add3A_186 {offsets = [0, 124], sizes = [16, 4], strides = [1, 1]} : vector<16x128xi32> to vector<16x4xi32>
    %slice3A_191 = vector.extract_strided_slice %add3A_186 {offsets = [0, 0], sizes = [16, 124], strides = [1, 1]} : vector<16x128xi32> to vector<16x124xi32>
    %concatenate3A_192 = tpu.concatenate %slice3A_190, %slice3A_191 in 1 : vector<16x4xi32>, vector<16x124xi32> -> vector<16x128xi32>
    %jit3A_193 = arith.constant 0 : i32
    %broadcast_in_dim3A_194 = vector.broadcast %jit3A_193 : i32 to vector<16x128xi32>
    %select_n3A_195 = arith.select %ge3A_189, %concatenate3A_192, %broadcast_in_dim3A_194 : vector<16x128xi1>, vector<16x128xi32>
    %add3A_196 = arith.addi %add3A_186, %select_n3A_195 : vector<16x128xi32>
    %ge3A_197 = arith.constant 8 : i32
    %ge3A_198 = vector.broadcast %ge3A_197 : i32 to vector<16x128xi32>
    %ge3A_199 = arith.cmpi sge, %iota3A, %ge3A_198 : vector<16x128xi32>
    %slice3A_200 = vector.extract_strided_slice %add3A_196 {offsets = [0, 120], sizes = [16, 8], strides = [1, 1]} : vector<16x128xi32> to vector<16x8xi32>
    %slice3A_201 = vector.extract_strided_slice %add3A_196 {offsets = [0, 0], sizes = [16, 120], strides = [1, 1]} : vector<16x128xi32> to vector<16x120xi32>
    %concatenate3A_202 = tpu.concatenate %slice3A_200, %slice3A_201 in 1 : vector<16x8xi32>, vector<16x120xi32> -> vector<16x128xi32>
    %jit3A_203 = arith.constant 0 : i32
    %broadcast_in_dim3A_204 = vector.broadcast %jit3A_203 : i32 to vector<16x128xi32>
    %select_n3A_205 = arith.select %ge3A_199, %concatenate3A_202, %broadcast_in_dim3A_204 : vector<16x128xi1>, vector<16x128xi32>
    %add3A_206 = arith.addi %add3A_196, %select_n3A_205 : vector<16x128xi32>
    %ge3A_207 = arith.constant 16 : i32
    %ge3A_208 = vector.broadcast %ge3A_207 : i32 to vector<16x128xi32>
    %ge3A_209 = arith.cmpi sge, %iota3A, %ge3A_208 : vector<16x128xi32>
    %slice3A_210 = vector.extract_strided_slice %add3A_206 {offsets = [0, 112], sizes = [16, 16], strides = [1, 1]} : vector<16x128xi32> to vector<16x16xi32>
    %slice3A_211 = vector.extract_strided_slice %add3A_206 {offsets = [0, 0], sizes = [16, 112], strides = [1, 1]} : vector<16x128xi32> to vector<16x112xi32>
    %concatenate3A_212 = tpu.concatenate %slice3A_210, %slice3A_211 in 1 : vector<16x16xi32>, vector<16x112xi32> -> vector<16x128xi32>
    %jit3A_213 = arith.constant 0 : i32
    %broadcast_in_dim3A_214 = vector.broadcast %jit3A_213 : i32 to vector<16x128xi32>
    %select_n3A_215 = arith.select %ge3A_209, %concatenate3A_212, %broadcast_in_dim3A_214 : vector<16x128xi1>, vector<16x128xi32>
    %add3A_216 = arith.addi %add3A_206, %select_n3A_215 : vector<16x128xi32>
    %ge3A_217 = arith.constant 32 : i32
    %ge3A_218 = vector.broadcast %ge3A_217 : i32 to vector<16x128xi32>
    %ge3A_219 = arith.cmpi sge, %iota3A, %ge3A_218 : vector<16x128xi32>
    %slice3A_220 = vector.extract_strided_slice %add3A_216 {offsets = [0, 96], sizes = [16, 32], strides = [1, 1]} : vector<16x128xi32> to vector<16x32xi32>
    %slice3A_221 = vector.extract_strided_slice %add3A_216 {offsets = [0, 0], sizes = [16, 96], strides = [1, 1]} : vector<16x128xi32> to vector<16x96xi32>
    %concatenate3A_222 = tpu.concatenate %slice3A_220, %slice3A_221 in 1 : vector<16x32xi32>, vector<16x96xi32> -> vector<16x128xi32>
    %jit3A_223 = arith.constant 0 : i32
    %broadcast_in_dim3A_224 = vector.broadcast %jit3A_223 : i32 to vector<16x128xi32>
    %select_n3A_225 = arith.select %ge3A_219, %concatenate3A_222, %broadcast_in_dim3A_224 : vector<16x128xi1>, vector<16x128xi32>
    %add3A_226 = arith.addi %add3A_216, %select_n3A_225 : vector<16x128xi32>
    %ge3A_227 = arith.constant 64 : i32
    %ge3A_228 = vector.broadcast %ge3A_227 : i32 to vector<16x128xi32>
    %ge3A_229 = arith.cmpi sge, %iota3A, %ge3A_228 : vector<16x128xi32>
    %slice3A_230 = vector.extract_strided_slice %add3A_226 {offsets = [0, 64], sizes = [16, 64], strides = [1, 1]} : vector<16x128xi32> to vector<16x64xi32>
    %slice3A_231 = vector.extract_strided_slice %add3A_226 {offsets = [0, 0], sizes = [16, 64], strides = [1, 1]} : vector<16x128xi32> to vector<16x64xi32>
    %concatenate3A_232 = tpu.concatenate %slice3A_230, %slice3A_231 in 1 : vector<16x64xi32>, vector<16x64xi32> -> vector<16x128xi32>
    %jit3A_233 = arith.constant 0 : i32
    %broadcast_in_dim3A_234 = vector.broadcast %jit3A_233 : i32 to vector<16x128xi32>
    %select_n3A_235 = arith.select %ge3A_229, %concatenate3A_232, %broadcast_in_dim3A_234 : vector<16x128xi1>, vector<16x128xi32>
    %add3A_236 = arith.addi %add3A_226, %select_n3A_235 : vector<16x128xi32>
    %slice3A_237 = vector.extract_strided_slice %add3A_236 {offsets = [0, 127], sizes = [16, 1], strides = [1, 1]} : vector<16x128xi32> to vector<16x1xi32>
    %squeeze3A_238 = vector.shape_cast %slice3A_237 : vector<16x1xi32> to vector<16xi32>
    %broadcast_in_dim3A_239 = vector.shape_cast %squeeze3A_238 : vector<16xi32> to vector<16x1xi32>
    %broadcast_in_dim3A_240 = vector.broadcast %broadcast_in_dim3A_239 : vector<16x1xi32> to vector<16x128xi32>
    %ge3A_241 = arith.constant 1 : i32
    %ge3A_242 = vector.broadcast %ge3A_241 : i32 to vector<16x128xi32>
    %ge3A_243 = arith.cmpi sge, %iota3A_2, %ge3A_242 : vector<16x128xi32>
    %slice3A_244 = vector.extract_strided_slice %broadcast_in_dim3A_240 {offsets = [15, 0], sizes = [1, 128], strides = [1, 1]} : vector<16x128xi32> to vector<1x128xi32>
    %slice3A_245 = vector.extract_strided_slice %broadcast_in_dim3A_240 {offsets = [0, 0], sizes = [15, 128], strides = [1, 1]} : vector<16x128xi32> to vector<15x128xi32>
    %concatenate3A_246 = tpu.concatenate %slice3A_244, %slice3A_245 in 0 : vector<1x128xi32>, vector<15x128xi32> -> vector<16x128xi32>
    %jit3A_247 = arith.constant 0 : i32
    %broadcast_in_dim3A_248 = vector.broadcast %jit3A_247 : i32 to vector<16x128xi32>
    %select_n3A_249 = arith.select %ge3A_243, %concatenate3A_246, %broadcast_in_dim3A_248 : vector<16x128xi1>, vector<16x128xi32>
    %add3A_250 = arith.addi %broadcast_in_dim3A_240, %select_n3A_249 : vector<16x128xi32>
    %ge3A_251 = arith.constant 2 : i32
    %ge3A_252 = vector.broadcast %ge3A_251 : i32 to vector<16x128xi32>
    %ge3A_253 = arith.cmpi sge, %iota3A_2, %ge3A_252 : vector<16x128xi32>
    %slice3A_254 = vector.extract_strided_slice %add3A_250 {offsets = [14, 0], sizes = [2, 128], strides = [1, 1]} : vector<16x128xi32> to vector<2x128xi32>
    %slice3A_255 = vector.extract_strided_slice %add3A_250 {offsets = [0, 0], sizes = [14, 128], strides = [1, 1]} : vector<16x128xi32> to vector<14x128xi32>
    %concatenate3A_256 = tpu.concatenate %slice3A_254, %slice3A_255 in 0 : vector<2x128xi32>, vector<14x128xi32> -> vector<16x128xi32>
    %jit3A_257 = arith.constant 0 : i32
    %broadcast_in_dim3A_258 = vector.broadcast %jit3A_257 : i32 to vector<16x128xi32>
    %select_n3A_259 = arith.select %ge3A_253, %concatenate3A_256, %broadcast_in_dim3A_258 : vector<16x128xi1>, vector<16x128xi32>
    %add3A_260 = arith.addi %add3A_250, %select_n3A_259 : vector<16x128xi32>
    %ge3A_261 = arith.constant 4 : i32
    %ge3A_262 = vector.broadcast %ge3A_261 : i32 to vector<16x128xi32>
    %ge3A_263 = arith.cmpi sge, %iota3A_2, %ge3A_262 : vector<16x128xi32>
    %slice3A_264 = vector.extract_strided_slice %add3A_260 {offsets = [12, 0], sizes = [4, 128], strides = [1, 1]} : vector<16x128xi32> to vector<4x128xi32>
    %slice3A_265 = vector.extract_strided_slice %add3A_260 {offsets = [0, 0], sizes = [12, 128], strides = [1, 1]} : vector<16x128xi32> to vector<12x128xi32>
    %concatenate3A_266 = tpu.concatenate %slice3A_264, %slice3A_265 in 0 : vector<4x128xi32>, vector<12x128xi32> -> vector<16x128xi32>
    %jit3A_267 = arith.constant 0 : i32
    %broadcast_in_dim3A_268 = vector.broadcast %jit3A_267 : i32 to vector<16x128xi32>
    %select_n3A_269 = arith.select %ge3A_263, %concatenate3A_266, %broadcast_in_dim3A_268 : vector<16x128xi1>, vector<16x128xi32>
    %add3A_270 = arith.addi %add3A_260, %select_n3A_269 : vector<16x128xi32>
    %ge3A_271 = arith.constant 8 : i32
    %ge3A_272 = vector.broadcast %ge3A_271 : i32 to vector<16x128xi32>
    %ge3A_273 = arith.cmpi sge, %iota3A_2, %ge3A_272 : vector<16x128xi32>
    %slice3A_274 = vector.extract_strided_slice %add3A_270 {offsets = [8, 0], sizes = [8, 128], strides = [1, 1]} : vector<16x128xi32> to vector<8x128xi32>
    %slice3A_275 = vector.extract_strided_slice %add3A_270 {offsets = [0, 0], sizes = [8, 128], strides = [1, 1]} : vector<16x128xi32> to vector<8x128xi32>
    %concatenate3A_276 = tpu.concatenate %slice3A_274, %slice3A_275 in 0 : vector<8x128xi32>, vector<8x128xi32> -> vector<16x128xi32>
    %jit3A_277 = arith.constant 0 : i32
    %broadcast_in_dim3A_278 = vector.broadcast %jit3A_277 : i32 to vector<16x128xi32>
    %select_n3A_279 = arith.select %ge3A_273, %concatenate3A_276, %broadcast_in_dim3A_278 : vector<16x128xi1>, vector<16x128xi32>
    %add3A_280 = arith.addi %add3A_270, %select_n3A_279 : vector<16x128xi32>
    %sub3A_281 = arith.subi %add3A_280, %broadcast_in_dim3A_240 : vector<16x128xi32>
    %add3A_282 = arith.addi %add3A_236, %sub3A_281 : vector<16x128xi32>
    %reduce_max3A_283 = vector.shape_cast %add3A_280 : vector<16x128xi32> to vector<1x16x128xi32>
    %reduce_max3A_284 = arith.constant dense<-2147483648> : vector<1xi32>
    %reduce_max3A_285 = vector.multi_reduction <maxsi>, %reduce_max3A_283, %reduce_max3A_284 [1, 2] : vector<1x16x128xi32> to vector<1xi32>
    %reduce_max3A_286 = vector.shape_cast %reduce_max3A_285 : vector<1xi32> to vector<1x1x1xi32>
    %reduce_max3A_287 = vector.extract %reduce_max3A_286[0, 0, 0] : i32 from vector<1x1x1xi32>
    %mul3A_288 = arith.constant 128 : i32
    %mul3A_289 = arith.muli %add3A_153, %mul3A_288 : i32
    %sub3A_290 = arith.constant 1 : i32
    %sub3A_291 = vector.broadcast %sub3A_290 : i32 to vector<16x128xi32>
    %sub3A_292 = arith.subi %add3A_282, %sub3A_291 : vector<16x128xi32>
    %add3A_293 = vector.broadcast %mul3A_289 : i32 to vector<16x128xi32>
    %add3A_294 = arith.addi %sub3A_292, %add3A_293 : vector<16x128xi32>
    %mul3A_295 = arith.muli %convert_element_type3A_166, %add3A_294 : vector<16x128xi32>
    %add3A_296 = arith.addi %add3A_128, %mul3A_295 : vector<16x128xi32>
    %add3A_297 = arith.constant 128 : i32
    %add3A_298 = arith.addi %reduce_max3A_287, %add3A_297 : i32
    %sub3A_299 = arith.constant 1 : i32
    %sub3A_300 = arith.subi %add3A_298, %sub3A_299 : i32
    %jit3A_301 = arith.constant 128 : i32
    %div3A_302 = arith.divsi %sub3A_300, %jit3A_301 : i32
    %sign3A_303 = arith.constant 0 : i32
    %sign3A_304 = arith.cmpi sgt, %sub3A_300, %sign3A_303 : i32
    %sign3A_305 = arith.extui %sign3A_304 : i1 to i32
    %sign3A_306 = arith.constant 0 : i32
    %sign3A_307 = arith.cmpi slt, %sub3A_300, %sign3A_306 : i32
    %sign3A_308 = arith.extui %sign3A_307 : i1 to i32
    %sign3A_309 = arith.subi %sign3A_305, %sign3A_308 : i32
    %sign3A_310 = arith.constant 0 : i32
    %sign3A_311 = arith.cmpi sgt, %jit3A_301, %sign3A_310 : i32
    %sign3A_312 = arith.extui %sign3A_311 : i1 to i32
    %sign3A_313 = arith.constant 0 : i32
    %sign3A_314 = arith.cmpi slt, %jit3A_301, %sign3A_313 : i32
    %sign3A_315 = arith.extui %sign3A_314 : i1 to i32
    %sign3A_316 = arith.subi %sign3A_312, %sign3A_315 : i32
    %ne3A_317 = arith.cmpi ne, %sign3A_309, %sign3A_316 : i32
    %rem3A_318 = arith.remsi %sub3A_300, %jit3A_301 : i32
    %ne3A_319 = arith.constant 0 : i32
    %ne3A_320 = arith.cmpi ne, %rem3A_318, %ne3A_319 : i32
    %and3A_321 = arith.andi %ne3A_317, %ne3A_320 : i1
    %sub3A_322 = arith.constant 1 : i32
    %sub3A_323 = arith.subi %div3A_302, %sub3A_322 : i32
    %select_n3A_324 = arith.select %and3A_321, %sub3A_323, %div3A_302 : i32
    %add3A_325 = arith.addi %add3A_153, %select_n3A_324 : i32
    %slice3A_326 = vector.extract_strided_slice %iota3A {offsets = [0, 0], sizes = [1, 128], strides = [1, 1]} : vector<16x128xi32> to vector<1x128xi32>
    %ge3A_327 = vector.broadcast %add3A_325 : i32 to vector<1x128xi32>
    %ge3A_328 = arith.cmpi sge, %slice3A_326, %ge3A_327 : vector<1x128xi32>
    %jit3A_329 = arith.constant 1 : i32
    %jit3A_330 = arith.constant 0 : i32
    %broadcast_in_dim3A_331 = vector.broadcast %jit3A_329 : i32 to vector<1x128xi32>
    %broadcast_in_dim3A_332 = vector.broadcast %jit3A_330 : i32 to vector<1x128xi32>
    %select_n3A_333 = arith.select %ge3A_328, %broadcast_in_dim3A_331, %broadcast_in_dim3A_332 : vector<1x128xi1>, vector<1x128xi32>
    %add3A_334 = arith.addi %add3A_162, %select_n3A_333 : vector<1x128xi32>
    %eq3A_335 = arith.constant 2 : i32
    %eq3A_336 = vector.broadcast %eq3A_335 : i32 to vector<16x128xi32>
    %eq3A_337 = arith.cmpi eq, %get3A_1, %eq3A_336 : vector<16x128xi32>
    %convert_element_type3A_338 = arith.extui %eq3A_337 : vector<16x128xi1> to vector<16x128xi32>
    %ge3A_339 = arith.constant 1 : i32
    %ge3A_340 = vector.broadcast %ge3A_339 : i32 to vector<16x128xi32>
    %ge3A_341 = arith.cmpi sge, %iota3A, %ge3A_340 : vector<16x128xi32>
    %slice3A_342 = vector.extract_strided_slice %convert_element_type3A_338 {offsets = [0, 127], sizes = [16, 1], strides = [1, 1]} : vector<16x128xi32> to vector<16x1xi32>
    %slice3A_343 = vector.extract_strided_slice %convert_element_type3A_338 {offsets = [0, 0], sizes = [16, 127], strides = [1, 1]} : vector<16x128xi32> to vector<16x127xi32>
    %concatenate3A_344 = tpu.concatenate %slice3A_342, %slice3A_343 in 1 : vector<16x1xi32>, vector<16x127xi32> -> vector<16x128xi32>
    %jit3A_345 = arith.constant 0 : i32
    %broadcast_in_dim3A_346 = vector.broadcast %jit3A_345 : i32 to vector<16x128xi32>
    %select_n3A_347 = arith.select %ge3A_341, %concatenate3A_344, %broadcast_in_dim3A_346 : vector<16x128xi1>, vector<16x128xi32>
    %add3A_348 = arith.addi %convert_element_type3A_338, %select_n3A_347 : vector<16x128xi32>
    %ge3A_349 = arith.constant 2 : i32
    %ge3A_350 = vector.broadcast %ge3A_349 : i32 to vector<16x128xi32>
    %ge3A_351 = arith.cmpi sge, %iota3A, %ge3A_350 : vector<16x128xi32>
    %slice3A_352 = vector.extract_strided_slice %add3A_348 {offsets = [0, 126], sizes = [16, 2], strides = [1, 1]} : vector<16x128xi32> to vector<16x2xi32>
    %slice3A_353 = vector.extract_strided_slice %add3A_348 {offsets = [0, 0], sizes = [16, 126], strides = [1, 1]} : vector<16x128xi32> to vector<16x126xi32>
    %concatenate3A_354 = tpu.concatenate %slice3A_352, %slice3A_353 in 1 : vector<16x2xi32>, vector<16x126xi32> -> vector<16x128xi32>
    %jit3A_355 = arith.constant 0 : i32
    %broadcast_in_dim3A_356 = vector.broadcast %jit3A_355 : i32 to vector<16x128xi32>
    %select_n3A_357 = arith.select %ge3A_351, %concatenate3A_354, %broadcast_in_dim3A_356 : vector<16x128xi1>, vector<16x128xi32>
    %add3A_358 = arith.addi %add3A_348, %select_n3A_357 : vector<16x128xi32>
    %ge3A_359 = arith.constant 4 : i32
    %ge3A_360 = vector.broadcast %ge3A_359 : i32 to vector<16x128xi32>
    %ge3A_361 = arith.cmpi sge, %iota3A, %ge3A_360 : vector<16x128xi32>
    %slice3A_362 = vector.extract_strided_slice %add3A_358 {offsets = [0, 124], sizes = [16, 4], strides = [1, 1]} : vector<16x128xi32> to vector<16x4xi32>
    %slice3A_363 = vector.extract_strided_slice %add3A_358 {offsets = [0, 0], sizes = [16, 124], strides = [1, 1]} : vector<16x128xi32> to vector<16x124xi32>
    %concatenate3A_364 = tpu.concatenate %slice3A_362, %slice3A_363 in 1 : vector<16x4xi32>, vector<16x124xi32> -> vector<16x128xi32>
    %jit3A_365 = arith.constant 0 : i32
    %broadcast_in_dim3A_366 = vector.broadcast %jit3A_365 : i32 to vector<16x128xi32>
    %select_n3A_367 = arith.select %ge3A_361, %concatenate3A_364, %broadcast_in_dim3A_366 : vector<16x128xi1>, vector<16x128xi32>
    %add3A_368 = arith.addi %add3A_358, %select_n3A_367 : vector<16x128xi32>
    %ge3A_369 = arith.constant 8 : i32
    %ge3A_370 = vector.broadcast %ge3A_369 : i32 to vector<16x128xi32>
    %ge3A_371 = arith.cmpi sge, %iota3A, %ge3A_370 : vector<16x128xi32>
    %slice3A_372 = vector.extract_strided_slice %add3A_368 {offsets = [0, 120], sizes = [16, 8], strides = [1, 1]} : vector<16x128xi32> to vector<16x8xi32>
    %slice3A_373 = vector.extract_strided_slice %add3A_368 {offsets = [0, 0], sizes = [16, 120], strides = [1, 1]} : vector<16x128xi32> to vector<16x120xi32>
    %concatenate3A_374 = tpu.concatenate %slice3A_372, %slice3A_373 in 1 : vector<16x8xi32>, vector<16x120xi32> -> vector<16x128xi32>
    %jit3A_375 = arith.constant 0 : i32
    %broadcast_in_dim3A_376 = vector.broadcast %jit3A_375 : i32 to vector<16x128xi32>
    %select_n3A_377 = arith.select %ge3A_371, %concatenate3A_374, %broadcast_in_dim3A_376 : vector<16x128xi1>, vector<16x128xi32>
    %add3A_378 = arith.addi %add3A_368, %select_n3A_377 : vector<16x128xi32>
    %ge3A_379 = arith.constant 16 : i32
    %ge3A_380 = vector.broadcast %ge3A_379 : i32 to vector<16x128xi32>
    %ge3A_381 = arith.cmpi sge, %iota3A, %ge3A_380 : vector<16x128xi32>
    %slice3A_382 = vector.extract_strided_slice %add3A_378 {offsets = [0, 112], sizes = [16, 16], strides = [1, 1]} : vector<16x128xi32> to vector<16x16xi32>
    %slice3A_383 = vector.extract_strided_slice %add3A_378 {offsets = [0, 0], sizes = [16, 112], strides = [1, 1]} : vector<16x128xi32> to vector<16x112xi32>
    %concatenate3A_384 = tpu.concatenate %slice3A_382, %slice3A_383 in 1 : vector<16x16xi32>, vector<16x112xi32> -> vector<16x128xi32>
    %jit3A_385 = arith.constant 0 : i32
    %broadcast_in_dim3A_386 = vector.broadcast %jit3A_385 : i32 to vector<16x128xi32>
    %select_n3A_387 = arith.select %ge3A_381, %concatenate3A_384, %broadcast_in_dim3A_386 : vector<16x128xi1>, vector<16x128xi32>
    %add3A_388 = arith.addi %add3A_378, %select_n3A_387 : vector<16x128xi32>
    %ge3A_389 = arith.constant 32 : i32
    %ge3A_390 = vector.broadcast %ge3A_389 : i32 to vector<16x128xi32>
    %ge3A_391 = arith.cmpi sge, %iota3A, %ge3A_390 : vector<16x128xi32>
    %slice3A_392 = vector.extract_strided_slice %add3A_388 {offsets = [0, 96], sizes = [16, 32], strides = [1, 1]} : vector<16x128xi32> to vector<16x32xi32>
    %slice3A_393 = vector.extract_strided_slice %add3A_388 {offsets = [0, 0], sizes = [16, 96], strides = [1, 1]} : vector<16x128xi32> to vector<16x96xi32>
    %concatenate3A_394 = tpu.concatenate %slice3A_392, %slice3A_393 in 1 : vector<16x32xi32>, vector<16x96xi32> -> vector<16x128xi32>
    %jit3A_395 = arith.constant 0 : i32
    %broadcast_in_dim3A_396 = vector.broadcast %jit3A_395 : i32 to vector<16x128xi32>
    %select_n3A_397 = arith.select %ge3A_391, %concatenate3A_394, %broadcast_in_dim3A_396 : vector<16x128xi1>, vector<16x128xi32>
    %add3A_398 = arith.addi %add3A_388, %select_n3A_397 : vector<16x128xi32>
    %ge3A_399 = arith.constant 64 : i32
    %ge3A_400 = vector.broadcast %ge3A_399 : i32 to vector<16x128xi32>
    %ge3A_401 = arith.cmpi sge, %iota3A, %ge3A_400 : vector<16x128xi32>
    %slice3A_402 = vector.extract_strided_slice %add3A_398 {offsets = [0, 64], sizes = [16, 64], strides = [1, 1]} : vector<16x128xi32> to vector<16x64xi32>
    %slice3A_403 = vector.extract_strided_slice %add3A_398 {offsets = [0, 0], sizes = [16, 64], strides = [1, 1]} : vector<16x128xi32> to vector<16x64xi32>
    %concatenate3A_404 = tpu.concatenate %slice3A_402, %slice3A_403 in 1 : vector<16x64xi32>, vector<16x64xi32> -> vector<16x128xi32>
    %jit3A_405 = arith.constant 0 : i32
    %broadcast_in_dim3A_406 = vector.broadcast %jit3A_405 : i32 to vector<16x128xi32>
    %select_n3A_407 = arith.select %ge3A_401, %concatenate3A_404, %broadcast_in_dim3A_406 : vector<16x128xi1>, vector<16x128xi32>
    %add3A_408 = arith.addi %add3A_398, %select_n3A_407 : vector<16x128xi32>
    %slice3A_409 = vector.extract_strided_slice %add3A_408 {offsets = [0, 127], sizes = [16, 1], strides = [1, 1]} : vector<16x128xi32> to vector<16x1xi32>
    %squeeze3A_410 = vector.shape_cast %slice3A_409 : vector<16x1xi32> to vector<16xi32>
    %broadcast_in_dim3A_411 = vector.shape_cast %squeeze3A_410 : vector<16xi32> to vector<16x1xi32>
    %broadcast_in_dim3A_412 = vector.broadcast %broadcast_in_dim3A_411 : vector<16x1xi32> to vector<16x128xi32>
    %ge3A_413 = arith.constant 1 : i32
    %ge3A_414 = vector.broadcast %ge3A_413 : i32 to vector<16x128xi32>
    %ge3A_415 = arith.cmpi sge, %iota3A_2, %ge3A_414 : vector<16x128xi32>
    %slice3A_416 = vector.extract_strided_slice %broadcast_in_dim3A_412 {offsets = [15, 0], sizes = [1, 128], strides = [1, 1]} : vector<16x128xi32> to vector<1x128xi32>
    %slice3A_417 = vector.extract_strided_slice %broadcast_in_dim3A_412 {offsets = [0, 0], sizes = [15, 128], strides = [1, 1]} : vector<16x128xi32> to vector<15x128xi32>
    %concatenate3A_418 = tpu.concatenate %slice3A_416, %slice3A_417 in 0 : vector<1x128xi32>, vector<15x128xi32> -> vector<16x128xi32>
    %jit3A_419 = arith.constant 0 : i32
    %broadcast_in_dim3A_420 = vector.broadcast %jit3A_419 : i32 to vector<16x128xi32>
    %select_n3A_421 = arith.select %ge3A_415, %concatenate3A_418, %broadcast_in_dim3A_420 : vector<16x128xi1>, vector<16x128xi32>
    %add3A_422 = arith.addi %broadcast_in_dim3A_412, %select_n3A_421 : vector<16x128xi32>
    %ge3A_423 = arith.constant 2 : i32
    %ge3A_424 = vector.broadcast %ge3A_423 : i32 to vector<16x128xi32>
    %ge3A_425 = arith.cmpi sge, %iota3A_2, %ge3A_424 : vector<16x128xi32>
    %slice3A_426 = vector.extract_strided_slice %add3A_422 {offsets = [14, 0], sizes = [2, 128], strides = [1, 1]} : vector<16x128xi32> to vector<2x128xi32>
    %slice3A_427 = vector.extract_strided_slice %add3A_422 {offsets = [0, 0], sizes = [14, 128], strides = [1, 1]} : vector<16x128xi32> to vector<14x128xi32>
    %concatenate3A_428 = tpu.concatenate %slice3A_426, %slice3A_427 in 0 : vector<2x128xi32>, vector<14x128xi32> -> vector<16x128xi32>
    %jit3A_429 = arith.constant 0 : i32
    %broadcast_in_dim3A_430 = vector.broadcast %jit3A_429 : i32 to vector<16x128xi32>
    %select_n3A_431 = arith.select %ge3A_425, %concatenate3A_428, %broadcast_in_dim3A_430 : vector<16x128xi1>, vector<16x128xi32>
    %add3A_432 = arith.addi %add3A_422, %select_n3A_431 : vector<16x128xi32>
    %ge3A_433 = arith.constant 4 : i32
    %ge3A_434 = vector.broadcast %ge3A_433 : i32 to vector<16x128xi32>
    %ge3A_435 = arith.cmpi sge, %iota3A_2, %ge3A_434 : vector<16x128xi32>
    %slice3A_436 = vector.extract_strided_slice %add3A_432 {offsets = [12, 0], sizes = [4, 128], strides = [1, 1]} : vector<16x128xi32> to vector<4x128xi32>
    %slice3A_437 = vector.extract_strided_slice %add3A_432 {offsets = [0, 0], sizes = [12, 128], strides = [1, 1]} : vector<16x128xi32> to vector<12x128xi32>
    %concatenate3A_438 = tpu.concatenate %slice3A_436, %slice3A_437 in 0 : vector<4x128xi32>, vector<12x128xi32> -> vector<16x128xi32>
    %jit3A_439 = arith.constant 0 : i32
    %broadcast_in_dim3A_440 = vector.broadcast %jit3A_439 : i32 to vector<16x128xi32>
    %select_n3A_441 = arith.select %ge3A_435, %concatenate3A_438, %broadcast_in_dim3A_440 : vector<16x128xi1>, vector<16x128xi32>
    %add3A_442 = arith.addi %add3A_432, %select_n3A_441 : vector<16x128xi32>
    %ge3A_443 = arith.constant 8 : i32
    %ge3A_444 = vector.broadcast %ge3A_443 : i32 to vector<16x128xi32>
    %ge3A_445 = arith.cmpi sge, %iota3A_2, %ge3A_444 : vector<16x128xi32>
    %slice3A_446 = vector.extract_strided_slice %add3A_442 {offsets = [8, 0], sizes = [8, 128], strides = [1, 1]} : vector<16x128xi32> to vector<8x128xi32>
    %slice3A_447 = vector.extract_strided_slice %add3A_442 {offsets = [0, 0], sizes = [8, 128], strides = [1, 1]} : vector<16x128xi32> to vector<8x128xi32>
    %concatenate3A_448 = tpu.concatenate %slice3A_446, %slice3A_447 in 0 : vector<8x128xi32>, vector<8x128xi32> -> vector<16x128xi32>
    %jit3A_449 = arith.constant 0 : i32
    %broadcast_in_dim3A_450 = vector.broadcast %jit3A_449 : i32 to vector<16x128xi32>
    %select_n3A_451 = arith.select %ge3A_445, %concatenate3A_448, %broadcast_in_dim3A_450 : vector<16x128xi1>, vector<16x128xi32>
    %add3A_452 = arith.addi %add3A_442, %select_n3A_451 : vector<16x128xi32>
    %sub3A_453 = arith.subi %add3A_452, %broadcast_in_dim3A_412 : vector<16x128xi32>
    %add3A_454 = arith.addi %add3A_408, %sub3A_453 : vector<16x128xi32>
    %reduce_max3A_455 = vector.shape_cast %add3A_452 : vector<16x128xi32> to vector<1x16x128xi32>
    %reduce_max3A_456 = arith.constant dense<-2147483648> : vector<1xi32>
    %reduce_max3A_457 = vector.multi_reduction <maxsi>, %reduce_max3A_455, %reduce_max3A_456 [1, 2] : vector<1x16x128xi32> to vector<1xi32>
    %reduce_max3A_458 = vector.shape_cast %reduce_max3A_457 : vector<1xi32> to vector<1x1x1xi32>
    %reduce_max3A_459 = vector.extract %reduce_max3A_458[0, 0, 0] : i32 from vector<1x1x1xi32>
    %mul3A_460 = arith.constant 128 : i32
    %mul3A_461 = arith.muli %add3A_325, %mul3A_460 : i32
    %sub3A_462 = arith.constant 1 : i32
    %sub3A_463 = vector.broadcast %sub3A_462 : i32 to vector<16x128xi32>
    %sub3A_464 = arith.subi %add3A_454, %sub3A_463 : vector<16x128xi32>
    %add3A_465 = vector.broadcast %mul3A_461 : i32 to vector<16x128xi32>
    %add3A_466 = arith.addi %sub3A_464, %add3A_465 : vector<16x128xi32>
    %mul3A_467 = arith.muli %convert_element_type3A_338, %add3A_466 : vector<16x128xi32>
    %add3A_468 = arith.addi %add3A_296, %mul3A_467 : vector<16x128xi32>
    %add3A_469 = arith.constant 128 : i32
    %add3A_470 = arith.addi %reduce_max3A_459, %add3A_469 : i32
    %sub3A_471 = arith.constant 1 : i32
    %sub3A_472 = arith.subi %add3A_470, %sub3A_471 : i32
    %jit3A_473 = arith.constant 128 : i32
    %div3A_474 = arith.divsi %sub3A_472, %jit3A_473 : i32
    %sign3A_475 = arith.constant 0 : i32
    %sign3A_476 = arith.cmpi sgt, %sub3A_472, %sign3A_475 : i32
    %sign3A_477 = arith.extui %sign3A_476 : i1 to i32
    %sign3A_478 = arith.constant 0 : i32
    %sign3A_479 = arith.cmpi slt, %sub3A_472, %sign3A_478 : i32
    %sign3A_480 = arith.extui %sign3A_479 : i1 to i32
    %sign3A_481 = arith.subi %sign3A_477, %sign3A_480 : i32
    %sign3A_482 = arith.constant 0 : i32
    %sign3A_483 = arith.cmpi sgt, %jit3A_473, %sign3A_482 : i32
    %sign3A_484 = arith.extui %sign3A_483 : i1 to i32
    %sign3A_485 = arith.constant 0 : i32
    %sign3A_486 = arith.cmpi slt, %jit3A_473, %sign3A_485 : i32
    %sign3A_487 = arith.extui %sign3A_486 : i1 to i32
    %sign3A_488 = arith.subi %sign3A_484, %sign3A_487 : i32
    %ne3A_489 = arith.cmpi ne, %sign3A_481, %sign3A_488 : i32
    %rem3A_490 = arith.remsi %sub3A_472, %jit3A_473 : i32
    %ne3A_491 = arith.constant 0 : i32
    %ne3A_492 = arith.cmpi ne, %rem3A_490, %ne3A_491 : i32
    %and3A_493 = arith.andi %ne3A_489, %ne3A_492 : i1
    %sub3A_494 = arith.constant 1 : i32
    %sub3A_495 = arith.subi %div3A_474, %sub3A_494 : i32
    %select_n3A_496 = arith.select %and3A_493, %sub3A_495, %div3A_474 : i32
    %add3A_497 = arith.addi %add3A_325, %select_n3A_496 : i32
    %slice3A_498 = vector.extract_strided_slice %iota3A {offsets = [0, 0], sizes = [1, 128], strides = [1, 1]} : vector<16x128xi32> to vector<1x128xi32>
    %ge3A_499 = vector.broadcast %add3A_497 : i32 to vector<1x128xi32>
    %ge3A_500 = arith.cmpi sge, %slice3A_498, %ge3A_499 : vector<1x128xi32>
    %jit3A_501 = arith.constant 1 : i32
    %jit3A_502 = arith.constant 0 : i32
    %broadcast_in_dim3A_503 = vector.broadcast %jit3A_501 : i32 to vector<1x128xi32>
    %broadcast_in_dim3A_504 = vector.broadcast %jit3A_502 : i32 to vector<1x128xi32>
    %select_n3A_505 = arith.select %ge3A_500, %broadcast_in_dim3A_503, %broadcast_in_dim3A_504 : vector<1x128xi1>, vector<1x128xi32>
    %add3A_506 = arith.addi %add3A_334, %select_n3A_505 : vector<1x128xi32>
    %eq3A_507 = arith.constant 3 : i32
    %eq3A_508 = vector.broadcast %eq3A_507 : i32 to vector<16x128xi32>
    %eq3A_509 = arith.cmpi eq, %get3A_1, %eq3A_508 : vector<16x128xi32>
    %convert_element_type3A_510 = arith.extui %eq3A_509 : vector<16x128xi1> to vector<16x128xi32>
    %ge3A_511 = arith.constant 1 : i32
    %ge3A_512 = vector.broadcast %ge3A_511 : i32 to vector<16x128xi32>
    %ge3A_513 = arith.cmpi sge, %iota3A, %ge3A_512 : vector<16x128xi32>
    %slice3A_514 = vector.extract_strided_slice %convert_element_type3A_510 {offsets = [0, 127], sizes = [16, 1], strides = [1, 1]} : vector<16x128xi32> to vector<16x1xi32>
    %slice3A_515 = vector.extract_strided_slice %convert_element_type3A_510 {offsets = [0, 0], sizes = [16, 127], strides = [1, 1]} : vector<16x128xi32> to vector<16x127xi32>
    %concatenate3A_516 = tpu.concatenate %slice3A_514, %slice3A_515 in 1 : vector<16x1xi32>, vector<16x127xi32> -> vector<16x128xi32>
    %jit3A_517 = arith.constant 0 : i32
    %broadcast_in_dim3A_518 = vector.broadcast %jit3A_517 : i32 to vector<16x128xi32>
    %select_n3A_519 = arith.select %ge3A_513, %concatenate3A_516, %broadcast_in_dim3A_518 : vector<16x128xi1>, vector<16x128xi32>
    %add3A_520 = arith.addi %convert_element_type3A_510, %select_n3A_519 : vector<16x128xi32>
    %ge3A_521 = arith.constant 2 : i32
    %ge3A_522 = vector.broadcast %ge3A_521 : i32 to vector<16x128xi32>
    %ge3A_523 = arith.cmpi sge, %iota3A, %ge3A_522 : vector<16x128xi32>
    %slice3A_524 = vector.extract_strided_slice %add3A_520 {offsets = [0, 126], sizes = [16, 2], strides = [1, 1]} : vector<16x128xi32> to vector<16x2xi32>
    %slice3A_525 = vector.extract_strided_slice %add3A_520 {offsets = [0, 0], sizes = [16, 126], strides = [1, 1]} : vector<16x128xi32> to vector<16x126xi32>
    %concatenate3A_526 = tpu.concatenate %slice3A_524, %slice3A_525 in 1 : vector<16x2xi32>, vector<16x126xi32> -> vector<16x128xi32>
    %jit3A_527 = arith.constant 0 : i32
    %broadcast_in_dim3A_528 = vector.broadcast %jit3A_527 : i32 to vector<16x128xi32>
    %select_n3A_529 = arith.select %ge3A_523, %concatenate3A_526, %broadcast_in_dim3A_528 : vector<16x128xi1>, vector<16x128xi32>
    %add3A_530 = arith.addi %add3A_520, %select_n3A_529 : vector<16x128xi32>
    %ge3A_531 = arith.constant 4 : i32
    %ge3A_532 = vector.broadcast %ge3A_531 : i32 to vector<16x128xi32>
    %ge3A_533 = arith.cmpi sge, %iota3A, %ge3A_532 : vector<16x128xi32>
    %slice3A_534 = vector.extract_strided_slice %add3A_530 {offsets = [0, 124], sizes = [16, 4], strides = [1, 1]} : vector<16x128xi32> to vector<16x4xi32>
    %slice3A_535 = vector.extract_strided_slice %add3A_530 {offsets = [0, 0], sizes = [16, 124], strides = [1, 1]} : vector<16x128xi32> to vector<16x124xi32>
    %concatenate3A_536 = tpu.concatenate %slice3A_534, %slice3A_535 in 1 : vector<16x4xi32>, vector<16x124xi32> -> vector<16x128xi32>
    %jit3A_537 = arith.constant 0 : i32
    %broadcast_in_dim3A_538 = vector.broadcast %jit3A_537 : i32 to vector<16x128xi32>
    %select_n3A_539 = arith.select %ge3A_533, %concatenate3A_536, %broadcast_in_dim3A_538 : vector<16x128xi1>, vector<16x128xi32>
    %add3A_540 = arith.addi %add3A_530, %select_n3A_539 : vector<16x128xi32>
    %ge3A_541 = arith.constant 8 : i32
    %ge3A_542 = vector.broadcast %ge3A_541 : i32 to vector<16x128xi32>
    %ge3A_543 = arith.cmpi sge, %iota3A, %ge3A_542 : vector<16x128xi32>
    %slice3A_544 = vector.extract_strided_slice %add3A_540 {offsets = [0, 120], sizes = [16, 8], strides = [1, 1]} : vector<16x128xi32> to vector<16x8xi32>
    %slice3A_545 = vector.extract_strided_slice %add3A_540 {offsets = [0, 0], sizes = [16, 120], strides = [1, 1]} : vector<16x128xi32> to vector<16x120xi32>
    %concatenate3A_546 = tpu.concatenate %slice3A_544, %slice3A_545 in 1 : vector<16x8xi32>, vector<16x120xi32> -> vector<16x128xi32>
    %jit3A_547 = arith.constant 0 : i32
    %broadcast_in_dim3A_548 = vector.broadcast %jit3A_547 : i32 to vector<16x128xi32>
    %select_n3A_549 = arith.select %ge3A_543, %concatenate3A_546, %broadcast_in_dim3A_548 : vector<16x128xi1>, vector<16x128xi32>
    %add3A_550 = arith.addi %add3A_540, %select_n3A_549 : vector<16x128xi32>
    %ge3A_551 = arith.constant 16 : i32
    %ge3A_552 = vector.broadcast %ge3A_551 : i32 to vector<16x128xi32>
    %ge3A_553 = arith.cmpi sge, %iota3A, %ge3A_552 : vector<16x128xi32>
    %slice3A_554 = vector.extract_strided_slice %add3A_550 {offsets = [0, 112], sizes = [16, 16], strides = [1, 1]} : vector<16x128xi32> to vector<16x16xi32>
    %slice3A_555 = vector.extract_strided_slice %add3A_550 {offsets = [0, 0], sizes = [16, 112], strides = [1, 1]} : vector<16x128xi32> to vector<16x112xi32>
    %concatenate3A_556 = tpu.concatenate %slice3A_554, %slice3A_555 in 1 : vector<16x16xi32>, vector<16x112xi32> -> vector<16x128xi32>
    %jit3A_557 = arith.constant 0 : i32
    %broadcast_in_dim3A_558 = vector.broadcast %jit3A_557 : i32 to vector<16x128xi32>
    %select_n3A_559 = arith.select %ge3A_553, %concatenate3A_556, %broadcast_in_dim3A_558 : vector<16x128xi1>, vector<16x128xi32>
    %add3A_560 = arith.addi %add3A_550, %select_n3A_559 : vector<16x128xi32>
    %ge3A_561 = arith.constant 32 : i32
    %ge3A_562 = vector.broadcast %ge3A_561 : i32 to vector<16x128xi32>
    %ge3A_563 = arith.cmpi sge, %iota3A, %ge3A_562 : vector<16x128xi32>
    %slice3A_564 = vector.extract_strided_slice %add3A_560 {offsets = [0, 96], sizes = [16, 32], strides = [1, 1]} : vector<16x128xi32> to vector<16x32xi32>
    %slice3A_565 = vector.extract_strided_slice %add3A_560 {offsets = [0, 0], sizes = [16, 96], strides = [1, 1]} : vector<16x128xi32> to vector<16x96xi32>
    %concatenate3A_566 = tpu.concatenate %slice3A_564, %slice3A_565 in 1 : vector<16x32xi32>, vector<16x96xi32> -> vector<16x128xi32>
    %jit3A_567 = arith.constant 0 : i32
    %broadcast_in_dim3A_568 = vector.broadcast %jit3A_567 : i32 to vector<16x128xi32>
    %select_n3A_569 = arith.select %ge3A_563, %concatenate3A_566, %broadcast_in_dim3A_568 : vector<16x128xi1>, vector<16x128xi32>
    %add3A_570 = arith.addi %add3A_560, %select_n3A_569 : vector<16x128xi32>
    %ge3A_571 = arith.constant 64 : i32
    %ge3A_572 = vector.broadcast %ge3A_571 : i32 to vector<16x128xi32>
    %ge3A_573 = arith.cmpi sge, %iota3A, %ge3A_572 : vector<16x128xi32>
    %slice3A_574 = vector.extract_strided_slice %add3A_570 {offsets = [0, 64], sizes = [16, 64], strides = [1, 1]} : vector<16x128xi32> to vector<16x64xi32>
    %slice3A_575 = vector.extract_strided_slice %add3A_570 {offsets = [0, 0], sizes = [16, 64], strides = [1, 1]} : vector<16x128xi32> to vector<16x64xi32>
    %concatenate3A_576 = tpu.concatenate %slice3A_574, %slice3A_575 in 1 : vector<16x64xi32>, vector<16x64xi32> -> vector<16x128xi32>
    %jit3A_577 = arith.constant 0 : i32
    %broadcast_in_dim3A_578 = vector.broadcast %jit3A_577 : i32 to vector<16x128xi32>
    %select_n3A_579 = arith.select %ge3A_573, %concatenate3A_576, %broadcast_in_dim3A_578 : vector<16x128xi1>, vector<16x128xi32>
    %add3A_580 = arith.addi %add3A_570, %select_n3A_579 : vector<16x128xi32>
    %slice3A_581 = vector.extract_strided_slice %add3A_580 {offsets = [0, 127], sizes = [16, 1], strides = [1, 1]} : vector<16x128xi32> to vector<16x1xi32>
    %squeeze3A_582 = vector.shape_cast %slice3A_581 : vector<16x1xi32> to vector<16xi32>
    %broadcast_in_dim3A_583 = vector.shape_cast %squeeze3A_582 : vector<16xi32> to vector<16x1xi32>
    %broadcast_in_dim3A_584 = vector.broadcast %broadcast_in_dim3A_583 : vector<16x1xi32> to vector<16x128xi32>
    %ge3A_585 = arith.constant 1 : i32
    %ge3A_586 = vector.broadcast %ge3A_585 : i32 to vector<16x128xi32>
    %ge3A_587 = arith.cmpi sge, %iota3A_2, %ge3A_586 : vector<16x128xi32>
    %slice3A_588 = vector.extract_strided_slice %broadcast_in_dim3A_584 {offsets = [15, 0], sizes = [1, 128], strides = [1, 1]} : vector<16x128xi32> to vector<1x128xi32>
    %slice3A_589 = vector.extract_strided_slice %broadcast_in_dim3A_584 {offsets = [0, 0], sizes = [15, 128], strides = [1, 1]} : vector<16x128xi32> to vector<15x128xi32>
    %concatenate3A_590 = tpu.concatenate %slice3A_588, %slice3A_589 in 0 : vector<1x128xi32>, vector<15x128xi32> -> vector<16x128xi32>
    %jit3A_591 = arith.constant 0 : i32
    %broadcast_in_dim3A_592 = vector.broadcast %jit3A_591 : i32 to vector<16x128xi32>
    %select_n3A_593 = arith.select %ge3A_587, %concatenate3A_590, %broadcast_in_dim3A_592 : vector<16x128xi1>, vector<16x128xi32>
    %add3A_594 = arith.addi %broadcast_in_dim3A_584, %select_n3A_593 : vector<16x128xi32>
    %ge3A_595 = arith.constant 2 : i32
    %ge3A_596 = vector.broadcast %ge3A_595 : i32 to vector<16x128xi32>
    %ge3A_597 = arith.cmpi sge, %iota3A_2, %ge3A_596 : vector<16x128xi32>
    %slice3A_598 = vector.extract_strided_slice %add3A_594 {offsets = [14, 0], sizes = [2, 128], strides = [1, 1]} : vector<16x128xi32> to vector<2x128xi32>
    %slice3A_599 = vector.extract_strided_slice %add3A_594 {offsets = [0, 0], sizes = [14, 128], strides = [1, 1]} : vector<16x128xi32> to vector<14x128xi32>
    %concatenate3A_600 = tpu.concatenate %slice3A_598, %slice3A_599 in 0 : vector<2x128xi32>, vector<14x128xi32> -> vector<16x128xi32>
    %jit3A_601 = arith.constant 0 : i32
    %broadcast_in_dim3A_602 = vector.broadcast %jit3A_601 : i32 to vector<16x128xi32>
    %select_n3A_603 = arith.select %ge3A_597, %concatenate3A_600, %broadcast_in_dim3A_602 : vector<16x128xi1>, vector<16x128xi32>
    %add3A_604 = arith.addi %add3A_594, %select_n3A_603 : vector<16x128xi32>
    %ge3A_605 = arith.constant 4 : i32
    %ge3A_606 = vector.broadcast %ge3A_605 : i32 to vector<16x128xi32>
    %ge3A_607 = arith.cmpi sge, %iota3A_2, %ge3A_606 : vector<16x128xi32>
    %slice3A_608 = vector.extract_strided_slice %add3A_604 {offsets = [12, 0], sizes = [4, 128], strides = [1, 1]} : vector<16x128xi32> to vector<4x128xi32>
    %slice3A_609 = vector.extract_strided_slice %add3A_604 {offsets = [0, 0], sizes = [12, 128], strides = [1, 1]} : vector<16x128xi32> to vector<12x128xi32>
    %concatenate3A_610 = tpu.concatenate %slice3A_608, %slice3A_609 in 0 : vector<4x128xi32>, vector<12x128xi32> -> vector<16x128xi32>
    %jit3A_611 = arith.constant 0 : i32
    %broadcast_in_dim3A_612 = vector.broadcast %jit3A_611 : i32 to vector<16x128xi32>
    %select_n3A_613 = arith.select %ge3A_607, %concatenate3A_610, %broadcast_in_dim3A_612 : vector<16x128xi1>, vector<16x128xi32>
    %add3A_614 = arith.addi %add3A_604, %select_n3A_613 : vector<16x128xi32>
    %ge3A_615 = arith.constant 8 : i32
    %ge3A_616 = vector.broadcast %ge3A_615 : i32 to vector<16x128xi32>
    %ge3A_617 = arith.cmpi sge, %iota3A_2, %ge3A_616 : vector<16x128xi32>
    %slice3A_618 = vector.extract_strided_slice %add3A_614 {offsets = [8, 0], sizes = [8, 128], strides = [1, 1]} : vector<16x128xi32> to vector<8x128xi32>
    %slice3A_619 = vector.extract_strided_slice %add3A_614 {offsets = [0, 0], sizes = [8, 128], strides = [1, 1]} : vector<16x128xi32> to vector<8x128xi32>
    %concatenate3A_620 = tpu.concatenate %slice3A_618, %slice3A_619 in 0 : vector<8x128xi32>, vector<8x128xi32> -> vector<16x128xi32>
    %jit3A_621 = arith.constant 0 : i32
    %broadcast_in_dim3A_622 = vector.broadcast %jit3A_621 : i32 to vector<16x128xi32>
    %select_n3A_623 = arith.select %ge3A_617, %concatenate3A_620, %broadcast_in_dim3A_622 : vector<16x128xi1>, vector<16x128xi32>
    %add3A_624 = arith.addi %add3A_614, %select_n3A_623 : vector<16x128xi32>
    %sub3A_625 = arith.subi %add3A_624, %broadcast_in_dim3A_584 : vector<16x128xi32>
    %add3A_626 = arith.addi %add3A_580, %sub3A_625 : vector<16x128xi32>
    %reduce_max3A_627 = vector.shape_cast %add3A_624 : vector<16x128xi32> to vector<1x16x128xi32>
    %reduce_max3A_628 = arith.constant dense<-2147483648> : vector<1xi32>
    %reduce_max3A_629 = vector.multi_reduction <maxsi>, %reduce_max3A_627, %reduce_max3A_628 [1, 2] : vector<1x16x128xi32> to vector<1xi32>
    %reduce_max3A_630 = vector.shape_cast %reduce_max3A_629 : vector<1xi32> to vector<1x1x1xi32>
    %reduce_max3A_631 = vector.extract %reduce_max3A_630[0, 0, 0] : i32 from vector<1x1x1xi32>
    %mul3A_632 = arith.constant 128 : i32
    %mul3A_633 = arith.muli %add3A_497, %mul3A_632 : i32
    %sub3A_634 = arith.constant 1 : i32
    %sub3A_635 = vector.broadcast %sub3A_634 : i32 to vector<16x128xi32>
    %sub3A_636 = arith.subi %add3A_626, %sub3A_635 : vector<16x128xi32>
    %add3A_637 = vector.broadcast %mul3A_633 : i32 to vector<16x128xi32>
    %add3A_638 = arith.addi %sub3A_636, %add3A_637 : vector<16x128xi32>
    %mul3A_639 = arith.muli %convert_element_type3A_510, %add3A_638 : vector<16x128xi32>
    %add3A_640 = arith.addi %add3A_468, %mul3A_639 : vector<16x128xi32>
    %add3A_641 = arith.constant 128 : i32
    %add3A_642 = arith.addi %reduce_max3A_631, %add3A_641 : i32
    %sub3A_643 = arith.constant 1 : i32
    %sub3A_644 = arith.subi %add3A_642, %sub3A_643 : i32
    %jit3A_645 = arith.constant 128 : i32
    %div3A_646 = arith.divsi %sub3A_644, %jit3A_645 : i32
    %sign3A_647 = arith.constant 0 : i32
    %sign3A_648 = arith.cmpi sgt, %sub3A_644, %sign3A_647 : i32
    %sign3A_649 = arith.extui %sign3A_648 : i1 to i32
    %sign3A_650 = arith.constant 0 : i32
    %sign3A_651 = arith.cmpi slt, %sub3A_644, %sign3A_650 : i32
    %sign3A_652 = arith.extui %sign3A_651 : i1 to i32
    %sign3A_653 = arith.subi %sign3A_649, %sign3A_652 : i32
    %sign3A_654 = arith.constant 0 : i32
    %sign3A_655 = arith.cmpi sgt, %jit3A_645, %sign3A_654 : i32
    %sign3A_656 = arith.extui %sign3A_655 : i1 to i32
    %sign3A_657 = arith.constant 0 : i32
    %sign3A_658 = arith.cmpi slt, %jit3A_645, %sign3A_657 : i32
    %sign3A_659 = arith.extui %sign3A_658 : i1 to i32
    %sign3A_660 = arith.subi %sign3A_656, %sign3A_659 : i32
    %ne3A_661 = arith.cmpi ne, %sign3A_653, %sign3A_660 : i32
    %rem3A_662 = arith.remsi %sub3A_644, %jit3A_645 : i32
    %ne3A_663 = arith.constant 0 : i32
    %ne3A_664 = arith.cmpi ne, %rem3A_662, %ne3A_663 : i32
    %and3A_665 = arith.andi %ne3A_661, %ne3A_664 : i1
    %sub3A_666 = arith.constant 1 : i32
    %sub3A_667 = arith.subi %div3A_646, %sub3A_666 : i32
    %select_n3A_668 = arith.select %and3A_665, %sub3A_667, %div3A_646 : i32
    %add3A_669 = arith.addi %add3A_497, %select_n3A_668 : i32
    %slice3A_670 = vector.extract_strided_slice %iota3A {offsets = [0, 0], sizes = [1, 128], strides = [1, 1]} : vector<16x128xi32> to vector<1x128xi32>
    %ge3A_671 = vector.broadcast %add3A_669 : i32 to vector<1x128xi32>
    %ge3A_672 = arith.cmpi sge, %slice3A_670, %ge3A_671 : vector<1x128xi32>
    %jit3A_673 = arith.constant 1 : i32
    %jit3A_674 = arith.constant 0 : i32
    %broadcast_in_dim3A_675 = vector.broadcast %jit3A_673 : i32 to vector<1x128xi32>
    %broadcast_in_dim3A_676 = vector.broadcast %jit3A_674 : i32 to vector<1x128xi32>
    %select_n3A_677 = arith.select %ge3A_672, %broadcast_in_dim3A_675, %broadcast_in_dim3A_676 : vector<1x128xi1>, vector<1x128xi32>
    %add3A_678 = arith.addi %add3A_506, %select_n3A_677 : vector<1x128xi32>
    %eq3A_679 = arith.constant 4 : i32
    %eq3A_680 = vector.broadcast %eq3A_679 : i32 to vector<16x128xi32>
    %eq3A_681 = arith.cmpi eq, %get3A_1, %eq3A_680 : vector<16x128xi32>
    %convert_element_type3A_682 = arith.extui %eq3A_681 : vector<16x128xi1> to vector<16x128xi32>
    %ge3A_683 = arith.constant 1 : i32
    %ge3A_684 = vector.broadcast %ge3A_683 : i32 to vector<16x128xi32>
    %ge3A_685 = arith.cmpi sge, %iota3A, %ge3A_684 : vector<16x128xi32>
    %slice3A_686 = vector.extract_strided_slice %convert_element_type3A_682 {offsets = [0, 127], sizes = [16, 1], strides = [1, 1]} : vector<16x128xi32> to vector<16x1xi32>
    %slice3A_687 = vector.extract_strided_slice %convert_element_type3A_682 {offsets = [0, 0], sizes = [16, 127], strides = [1, 1]} : vector<16x128xi32> to vector<16x127xi32>
    %concatenate3A_688 = tpu.concatenate %slice3A_686, %slice3A_687 in 1 : vector<16x1xi32>, vector<16x127xi32> -> vector<16x128xi32>
    %jit3A_689 = arith.constant 0 : i32
    %broadcast_in_dim3A_690 = vector.broadcast %jit3A_689 : i32 to vector<16x128xi32>
    %select_n3A_691 = arith.select %ge3A_685, %concatenate3A_688, %broadcast_in_dim3A_690 : vector<16x128xi1>, vector<16x128xi32>
    %add3A_692 = arith.addi %convert_element_type3A_682, %select_n3A_691 : vector<16x128xi32>
    %ge3A_693 = arith.constant 2 : i32
    %ge3A_694 = vector.broadcast %ge3A_693 : i32 to vector<16x128xi32>
    %ge3A_695 = arith.cmpi sge, %iota3A, %ge3A_694 : vector<16x128xi32>
    %slice3A_696 = vector.extract_strided_slice %add3A_692 {offsets = [0, 126], sizes = [16, 2], strides = [1, 1]} : vector<16x128xi32> to vector<16x2xi32>
    %slice3A_697 = vector.extract_strided_slice %add3A_692 {offsets = [0, 0], sizes = [16, 126], strides = [1, 1]} : vector<16x128xi32> to vector<16x126xi32>
    %concatenate3A_698 = tpu.concatenate %slice3A_696, %slice3A_697 in 1 : vector<16x2xi32>, vector<16x126xi32> -> vector<16x128xi32>
    %jit3A_699 = arith.constant 0 : i32
    %broadcast_in_dim3A_700 = vector.broadcast %jit3A_699 : i32 to vector<16x128xi32>
    %select_n3A_701 = arith.select %ge3A_695, %concatenate3A_698, %broadcast_in_dim3A_700 : vector<16x128xi1>, vector<16x128xi32>
    %add3A_702 = arith.addi %add3A_692, %select_n3A_701 : vector<16x128xi32>
    %ge3A_703 = arith.constant 4 : i32
    %ge3A_704 = vector.broadcast %ge3A_703 : i32 to vector<16x128xi32>
    %ge3A_705 = arith.cmpi sge, %iota3A, %ge3A_704 : vector<16x128xi32>
    %slice3A_706 = vector.extract_strided_slice %add3A_702 {offsets = [0, 124], sizes = [16, 4], strides = [1, 1]} : vector<16x128xi32> to vector<16x4xi32>
    %slice3A_707 = vector.extract_strided_slice %add3A_702 {offsets = [0, 0], sizes = [16, 124], strides = [1, 1]} : vector<16x128xi32> to vector<16x124xi32>
    %concatenate3A_708 = tpu.concatenate %slice3A_706, %slice3A_707 in 1 : vector<16x4xi32>, vector<16x124xi32> -> vector<16x128xi32>
    %jit3A_709 = arith.constant 0 : i32
    %broadcast_in_dim3A_710 = vector.broadcast %jit3A_709 : i32 to vector<16x128xi32>
    %select_n3A_711 = arith.select %ge3A_705, %concatenate3A_708, %broadcast_in_dim3A_710 : vector<16x128xi1>, vector<16x128xi32>
    %add3A_712 = arith.addi %add3A_702, %select_n3A_711 : vector<16x128xi32>
    %ge3A_713 = arith.constant 8 : i32
    %ge3A_714 = vector.broadcast %ge3A_713 : i32 to vector<16x128xi32>
    %ge3A_715 = arith.cmpi sge, %iota3A, %ge3A_714 : vector<16x128xi32>
    %slice3A_716 = vector.extract_strided_slice %add3A_712 {offsets = [0, 120], sizes = [16, 8], strides = [1, 1]} : vector<16x128xi32> to vector<16x8xi32>
    %slice3A_717 = vector.extract_strided_slice %add3A_712 {offsets = [0, 0], sizes = [16, 120], strides = [1, 1]} : vector<16x128xi32> to vector<16x120xi32>
    %concatenate3A_718 = tpu.concatenate %slice3A_716, %slice3A_717 in 1 : vector<16x8xi32>, vector<16x120xi32> -> vector<16x128xi32>
    %jit3A_719 = arith.constant 0 : i32
    %broadcast_in_dim3A_720 = vector.broadcast %jit3A_719 : i32 to vector<16x128xi32>
    %select_n3A_721 = arith.select %ge3A_715, %concatenate3A_718, %broadcast_in_dim3A_720 : vector<16x128xi1>, vector<16x128xi32>
    %add3A_722 = arith.addi %add3A_712, %select_n3A_721 : vector<16x128xi32>
    %ge3A_723 = arith.constant 16 : i32
    %ge3A_724 = vector.broadcast %ge3A_723 : i32 to vector<16x128xi32>
    %ge3A_725 = arith.cmpi sge, %iota3A, %ge3A_724 : vector<16x128xi32>
    %slice3A_726 = vector.extract_strided_slice %add3A_722 {offsets = [0, 112], sizes = [16, 16], strides = [1, 1]} : vector<16x128xi32> to vector<16x16xi32>
    %slice3A_727 = vector.extract_strided_slice %add3A_722 {offsets = [0, 0], sizes = [16, 112], strides = [1, 1]} : vector<16x128xi32> to vector<16x112xi32>
    %concatenate3A_728 = tpu.concatenate %slice3A_726, %slice3A_727 in 1 : vector<16x16xi32>, vector<16x112xi32> -> vector<16x128xi32>
    %jit3A_729 = arith.constant 0 : i32
    %broadcast_in_dim3A_730 = vector.broadcast %jit3A_729 : i32 to vector<16x128xi32>
    %select_n3A_731 = arith.select %ge3A_725, %concatenate3A_728, %broadcast_in_dim3A_730 : vector<16x128xi1>, vector<16x128xi32>
    %add3A_732 = arith.addi %add3A_722, %select_n3A_731 : vector<16x128xi32>
    %ge3A_733 = arith.constant 32 : i32
    %ge3A_734 = vector.broadcast %ge3A_733 : i32 to vector<16x128xi32>
    %ge3A_735 = arith.cmpi sge, %iota3A, %ge3A_734 : vector<16x128xi32>
    %slice3A_736 = vector.extract_strided_slice %add3A_732 {offsets = [0, 96], sizes = [16, 32], strides = [1, 1]} : vector<16x128xi32> to vector<16x32xi32>
    %slice3A_737 = vector.extract_strided_slice %add3A_732 {offsets = [0, 0], sizes = [16, 96], strides = [1, 1]} : vector<16x128xi32> to vector<16x96xi32>
    %concatenate3A_738 = tpu.concatenate %slice3A_736, %slice3A_737 in 1 : vector<16x32xi32>, vector<16x96xi32> -> vector<16x128xi32>
    %jit3A_739 = arith.constant 0 : i32
    %broadcast_in_dim3A_740 = vector.broadcast %jit3A_739 : i32 to vector<16x128xi32>
    %select_n3A_741 = arith.select %ge3A_735, %concatenate3A_738, %broadcast_in_dim3A_740 : vector<16x128xi1>, vector<16x128xi32>
    %add3A_742 = arith.addi %add3A_732, %select_n3A_741 : vector<16x128xi32>
    %ge3A_743 = arith.constant 64 : i32
    %ge3A_744 = vector.broadcast %ge3A_743 : i32 to vector<16x128xi32>
    %ge3A_745 = arith.cmpi sge, %iota3A, %ge3A_744 : vector<16x128xi32>
    %slice3A_746 = vector.extract_strided_slice %add3A_742 {offsets = [0, 64], sizes = [16, 64], strides = [1, 1]} : vector<16x128xi32> to vector<16x64xi32>
    %slice3A_747 = vector.extract_strided_slice %add3A_742 {offsets = [0, 0], sizes = [16, 64], strides = [1, 1]} : vector<16x128xi32> to vector<16x64xi32>
    %concatenate3A_748 = tpu.concatenate %slice3A_746, %slice3A_747 in 1 : vector<16x64xi32>, vector<16x64xi32> -> vector<16x128xi32>
    %jit3A_749 = arith.constant 0 : i32
    %broadcast_in_dim3A_750 = vector.broadcast %jit3A_749 : i32 to vector<16x128xi32>
    %select_n3A_751 = arith.select %ge3A_745, %concatenate3A_748, %broadcast_in_dim3A_750 : vector<16x128xi1>, vector<16x128xi32>
    %add3A_752 = arith.addi %add3A_742, %select_n3A_751 : vector<16x128xi32>
    %slice3A_753 = vector.extract_strided_slice %add3A_752 {offsets = [0, 127], sizes = [16, 1], strides = [1, 1]} : vector<16x128xi32> to vector<16x1xi32>
    %squeeze3A_754 = vector.shape_cast %slice3A_753 : vector<16x1xi32> to vector<16xi32>
    %broadcast_in_dim3A_755 = vector.shape_cast %squeeze3A_754 : vector<16xi32> to vector<16x1xi32>
    %broadcast_in_dim3A_756 = vector.broadcast %broadcast_in_dim3A_755 : vector<16x1xi32> to vector<16x128xi32>
    %ge3A_757 = arith.constant 1 : i32
    %ge3A_758 = vector.broadcast %ge3A_757 : i32 to vector<16x128xi32>
    %ge3A_759 = arith.cmpi sge, %iota3A_2, %ge3A_758 : vector<16x128xi32>
    %slice3A_760 = vector.extract_strided_slice %broadcast_in_dim3A_756 {offsets = [15, 0], sizes = [1, 128], strides = [1, 1]} : vector<16x128xi32> to vector<1x128xi32>
    %slice3A_761 = vector.extract_strided_slice %broadcast_in_dim3A_756 {offsets = [0, 0], sizes = [15, 128], strides = [1, 1]} : vector<16x128xi32> to vector<15x128xi32>
    %concatenate3A_762 = tpu.concatenate %slice3A_760, %slice3A_761 in 0 : vector<1x128xi32>, vector<15x128xi32> -> vector<16x128xi32>
    %jit3A_763 = arith.constant 0 : i32
    %broadcast_in_dim3A_764 = vector.broadcast %jit3A_763 : i32 to vector<16x128xi32>
    %select_n3A_765 = arith.select %ge3A_759, %concatenate3A_762, %broadcast_in_dim3A_764 : vector<16x128xi1>, vector<16x128xi32>
    %add3A_766 = arith.addi %broadcast_in_dim3A_756, %select_n3A_765 : vector<16x128xi32>
    %ge3A_767 = arith.constant 2 : i32
    %ge3A_768 = vector.broadcast %ge3A_767 : i32 to vector<16x128xi32>
    %ge3A_769 = arith.cmpi sge, %iota3A_2, %ge3A_768 : vector<16x128xi32>
    %slice3A_770 = vector.extract_strided_slice %add3A_766 {offsets = [14, 0], sizes = [2, 128], strides = [1, 1]} : vector<16x128xi32> to vector<2x128xi32>
    %slice3A_771 = vector.extract_strided_slice %add3A_766 {offsets = [0, 0], sizes = [14, 128], strides = [1, 1]} : vector<16x128xi32> to vector<14x128xi32>
    %concatenate3A_772 = tpu.concatenate %slice3A_770, %slice3A_771 in 0 : vector<2x128xi32>, vector<14x128xi32> -> vector<16x128xi32>
    %jit3A_773 = arith.constant 0 : i32
    %broadcast_in_dim3A_774 = vector.broadcast %jit3A_773 : i32 to vector<16x128xi32>
    %select_n3A_775 = arith.select %ge3A_769, %concatenate3A_772, %broadcast_in_dim3A_774 : vector<16x128xi1>, vector<16x128xi32>
    %add3A_776 = arith.addi %add3A_766, %select_n3A_775 : vector<16x128xi32>
    %ge3A_777 = arith.constant 4 : i32
    %ge3A_778 = vector.broadcast %ge3A_777 : i32 to vector<16x128xi32>
    %ge3A_779 = arith.cmpi sge, %iota3A_2, %ge3A_778 : vector<16x128xi32>
    %slice3A_780 = vector.extract_strided_slice %add3A_776 {offsets = [12, 0], sizes = [4, 128], strides = [1, 1]} : vector<16x128xi32> to vector<4x128xi32>
    %slice3A_781 = vector.extract_strided_slice %add3A_776 {offsets = [0, 0], sizes = [12, 128], strides = [1, 1]} : vector<16x128xi32> to vector<12x128xi32>
    %concatenate3A_782 = tpu.concatenate %slice3A_780, %slice3A_781 in 0 : vector<4x128xi32>, vector<12x128xi32> -> vector<16x128xi32>
    %jit3A_783 = arith.constant 0 : i32
    %broadcast_in_dim3A_784 = vector.broadcast %jit3A_783 : i32 to vector<16x128xi32>
    %select_n3A_785 = arith.select %ge3A_779, %concatenate3A_782, %broadcast_in_dim3A_784 : vector<16x128xi1>, vector<16x128xi32>
    %add3A_786 = arith.addi %add3A_776, %select_n3A_785 : vector<16x128xi32>
    %ge3A_787 = arith.constant 8 : i32
    %ge3A_788 = vector.broadcast %ge3A_787 : i32 to vector<16x128xi32>
    %ge3A_789 = arith.cmpi sge, %iota3A_2, %ge3A_788 : vector<16x128xi32>
    %slice3A_790 = vector.extract_strided_slice %add3A_786 {offsets = [8, 0], sizes = [8, 128], strides = [1, 1]} : vector<16x128xi32> to vector<8x128xi32>
    %slice3A_791 = vector.extract_strided_slice %add3A_786 {offsets = [0, 0], sizes = [8, 128], strides = [1, 1]} : vector<16x128xi32> to vector<8x128xi32>
    %concatenate3A_792 = tpu.concatenate %slice3A_790, %slice3A_791 in 0 : vector<8x128xi32>, vector<8x128xi32> -> vector<16x128xi32>
    %jit3A_793 = arith.constant 0 : i32
    %broadcast_in_dim3A_794 = vector.broadcast %jit3A_793 : i32 to vector<16x128xi32>
    %select_n3A_795 = arith.select %ge3A_789, %concatenate3A_792, %broadcast_in_dim3A_794 : vector<16x128xi1>, vector<16x128xi32>
    %add3A_796 = arith.addi %add3A_786, %select_n3A_795 : vector<16x128xi32>
    %sub3A_797 = arith.subi %add3A_796, %broadcast_in_dim3A_756 : vector<16x128xi32>
    %add3A_798 = arith.addi %add3A_752, %sub3A_797 : vector<16x128xi32>
    %reduce_max3A_799 = vector.shape_cast %add3A_796 : vector<16x128xi32> to vector<1x16x128xi32>
    %reduce_max3A_800 = arith.constant dense<-2147483648> : vector<1xi32>
    %reduce_max3A_801 = vector.multi_reduction <maxsi>, %reduce_max3A_799, %reduce_max3A_800 [1, 2] : vector<1x16x128xi32> to vector<1xi32>
    %reduce_max3A_802 = vector.shape_cast %reduce_max3A_801 : vector<1xi32> to vector<1x1x1xi32>
    %reduce_max3A_803 = vector.extract %reduce_max3A_802[0, 0, 0] : i32 from vector<1x1x1xi32>
    %mul3A_804 = arith.constant 128 : i32
    %mul3A_805 = arith.muli %add3A_669, %mul3A_804 : i32
    %sub3A_806 = arith.constant 1 : i32
    %sub3A_807 = vector.broadcast %sub3A_806 : i32 to vector<16x128xi32>
    %sub3A_808 = arith.subi %add3A_798, %sub3A_807 : vector<16x128xi32>
    %add3A_809 = vector.broadcast %mul3A_805 : i32 to vector<16x128xi32>
    %add3A_810 = arith.addi %sub3A_808, %add3A_809 : vector<16x128xi32>
    %mul3A_811 = arith.muli %convert_element_type3A_682, %add3A_810 : vector<16x128xi32>
    %add3A_812 = arith.addi %add3A_640, %mul3A_811 : vector<16x128xi32>
    %add3A_813 = arith.constant 128 : i32
    %add3A_814 = arith.addi %reduce_max3A_803, %add3A_813 : i32
    %sub3A_815 = arith.constant 1 : i32
    %sub3A_816 = arith.subi %add3A_814, %sub3A_815 : i32
    %jit3A_817 = arith.constant 128 : i32
    %div3A_818 = arith.divsi %sub3A_816, %jit3A_817 : i32
    %sign3A_819 = arith.constant 0 : i32
    %sign3A_820 = arith.cmpi sgt, %sub3A_816, %sign3A_819 : i32
    %sign3A_821 = arith.extui %sign3A_820 : i1 to i32
    %sign3A_822 = arith.constant 0 : i32
    %sign3A_823 = arith.cmpi slt, %sub3A_816, %sign3A_822 : i32
    %sign3A_824 = arith.extui %sign3A_823 : i1 to i32
    %sign3A_825 = arith.subi %sign3A_821, %sign3A_824 : i32
    %sign3A_826 = arith.constant 0 : i32
    %sign3A_827 = arith.cmpi sgt, %jit3A_817, %sign3A_826 : i32
    %sign3A_828 = arith.extui %sign3A_827 : i1 to i32
    %sign3A_829 = arith.constant 0 : i32
    %sign3A_830 = arith.cmpi slt, %jit3A_817, %sign3A_829 : i32
    %sign3A_831 = arith.extui %sign3A_830 : i1 to i32
    %sign3A_832 = arith.subi %sign3A_828, %sign3A_831 : i32
    %ne3A_833 = arith.cmpi ne, %sign3A_825, %sign3A_832 : i32
    %rem3A_834 = arith.remsi %sub3A_816, %jit3A_817 : i32
    %ne3A_835 = arith.constant 0 : i32
    %ne3A_836 = arith.cmpi ne, %rem3A_834, %ne3A_835 : i32
    %and3A_837 = arith.andi %ne3A_833, %ne3A_836 : i1
    %sub3A_838 = arith.constant 1 : i32
    %sub3A_839 = arith.subi %div3A_818, %sub3A_838 : i32
    %select_n3A_840 = arith.select %and3A_837, %sub3A_839, %div3A_818 : i32
    %add3A_841 = arith.addi %add3A_669, %select_n3A_840 : i32
    %slice3A_842 = vector.extract_strided_slice %iota3A {offsets = [0, 0], sizes = [1, 128], strides = [1, 1]} : vector<16x128xi32> to vector<1x128xi32>
    %ge3A_843 = vector.broadcast %add3A_841 : i32 to vector<1x128xi32>
    %ge3A_844 = arith.cmpi sge, %slice3A_842, %ge3A_843 : vector<1x128xi32>
    %jit3A_845 = arith.constant 1 : i32
    %jit3A_846 = arith.constant 0 : i32
    %broadcast_in_dim3A_847 = vector.broadcast %jit3A_845 : i32 to vector<1x128xi32>
    %broadcast_in_dim3A_848 = vector.broadcast %jit3A_846 : i32 to vector<1x128xi32>
    %select_n3A_849 = arith.select %ge3A_844, %broadcast_in_dim3A_847, %broadcast_in_dim3A_848 : vector<1x128xi1>, vector<1x128xi32>
    %add3A_850 = arith.addi %add3A_678, %select_n3A_849 : vector<1x128xi32>
    %eq3A_851 = arith.constant 5 : i32
    %eq3A_852 = vector.broadcast %eq3A_851 : i32 to vector<16x128xi32>
    %eq3A_853 = arith.cmpi eq, %get3A_1, %eq3A_852 : vector<16x128xi32>
    %convert_element_type3A_854 = arith.extui %eq3A_853 : vector<16x128xi1> to vector<16x128xi32>
    %ge3A_855 = arith.constant 1 : i32
    %ge3A_856 = vector.broadcast %ge3A_855 : i32 to vector<16x128xi32>
    %ge3A_857 = arith.cmpi sge, %iota3A, %ge3A_856 : vector<16x128xi32>
    %slice3A_858 = vector.extract_strided_slice %convert_element_type3A_854 {offsets = [0, 127], sizes = [16, 1], strides = [1, 1]} : vector<16x128xi32> to vector<16x1xi32>
    %slice3A_859 = vector.extract_strided_slice %convert_element_type3A_854 {offsets = [0, 0], sizes = [16, 127], strides = [1, 1]} : vector<16x128xi32> to vector<16x127xi32>
    %concatenate3A_860 = tpu.concatenate %slice3A_858, %slice3A_859 in 1 : vector<16x1xi32>, vector<16x127xi32> -> vector<16x128xi32>
    %jit3A_861 = arith.constant 0 : i32
    %broadcast_in_dim3A_862 = vector.broadcast %jit3A_861 : i32 to vector<16x128xi32>
    %select_n3A_863 = arith.select %ge3A_857, %concatenate3A_860, %broadcast_in_dim3A_862 : vector<16x128xi1>, vector<16x128xi32>
    %add3A_864 = arith.addi %convert_element_type3A_854, %select_n3A_863 : vector<16x128xi32>
    %ge3A_865 = arith.constant 2 : i32
    %ge3A_866 = vector.broadcast %ge3A_865 : i32 to vector<16x128xi32>
    %ge3A_867 = arith.cmpi sge, %iota3A, %ge3A_866 : vector<16x128xi32>
    %slice3A_868 = vector.extract_strided_slice %add3A_864 {offsets = [0, 126], sizes = [16, 2], strides = [1, 1]} : vector<16x128xi32> to vector<16x2xi32>
    %slice3A_869 = vector.extract_strided_slice %add3A_864 {offsets = [0, 0], sizes = [16, 126], strides = [1, 1]} : vector<16x128xi32> to vector<16x126xi32>
    %concatenate3A_870 = tpu.concatenate %slice3A_868, %slice3A_869 in 1 : vector<16x2xi32>, vector<16x126xi32> -> vector<16x128xi32>
    %jit3A_871 = arith.constant 0 : i32
    %broadcast_in_dim3A_872 = vector.broadcast %jit3A_871 : i32 to vector<16x128xi32>
    %select_n3A_873 = arith.select %ge3A_867, %concatenate3A_870, %broadcast_in_dim3A_872 : vector<16x128xi1>, vector<16x128xi32>
    %add3A_874 = arith.addi %add3A_864, %select_n3A_873 : vector<16x128xi32>
    %ge3A_875 = arith.constant 4 : i32
    %ge3A_876 = vector.broadcast %ge3A_875 : i32 to vector<16x128xi32>
    %ge3A_877 = arith.cmpi sge, %iota3A, %ge3A_876 : vector<16x128xi32>
    %slice3A_878 = vector.extract_strided_slice %add3A_874 {offsets = [0, 124], sizes = [16, 4], strides = [1, 1]} : vector<16x128xi32> to vector<16x4xi32>
    %slice3A_879 = vector.extract_strided_slice %add3A_874 {offsets = [0, 0], sizes = [16, 124], strides = [1, 1]} : vector<16x128xi32> to vector<16x124xi32>
    %concatenate3A_880 = tpu.concatenate %slice3A_878, %slice3A_879 in 1 : vector<16x4xi32>, vector<16x124xi32> -> vector<16x128xi32>
    %jit3A_881 = arith.constant 0 : i32
    %broadcast_in_dim3A_882 = vector.broadcast %jit3A_881 : i32 to vector<16x128xi32>
    %select_n3A_883 = arith.select %ge3A_877, %concatenate3A_880, %broadcast_in_dim3A_882 : vector<16x128xi1>, vector<16x128xi32>
    %add3A_884 = arith.addi %add3A_874, %select_n3A_883 : vector<16x128xi32>
    %ge3A_885 = arith.constant 8 : i32
    %ge3A_886 = vector.broadcast %ge3A_885 : i32 to vector<16x128xi32>
    %ge3A_887 = arith.cmpi sge, %iota3A, %ge3A_886 : vector<16x128xi32>
    %slice3A_888 = vector.extract_strided_slice %add3A_884 {offsets = [0, 120], sizes = [16, 8], strides = [1, 1]} : vector<16x128xi32> to vector<16x8xi32>
    %slice3A_889 = vector.extract_strided_slice %add3A_884 {offsets = [0, 0], sizes = [16, 120], strides = [1, 1]} : vector<16x128xi32> to vector<16x120xi32>
    %concatenate3A_890 = tpu.concatenate %slice3A_888, %slice3A_889 in 1 : vector<16x8xi32>, vector<16x120xi32> -> vector<16x128xi32>
    %jit3A_891 = arith.constant 0 : i32
    %broadcast_in_dim3A_892 = vector.broadcast %jit3A_891 : i32 to vector<16x128xi32>
    %select_n3A_893 = arith.select %ge3A_887, %concatenate3A_890, %broadcast_in_dim3A_892 : vector<16x128xi1>, vector<16x128xi32>
    %add3A_894 = arith.addi %add3A_884, %select_n3A_893 : vector<16x128xi32>
    %ge3A_895 = arith.constant 16 : i32
    %ge3A_896 = vector.broadcast %ge3A_895 : i32 to vector<16x128xi32>
    %ge3A_897 = arith.cmpi sge, %iota3A, %ge3A_896 : vector<16x128xi32>
    %slice3A_898 = vector.extract_strided_slice %add3A_894 {offsets = [0, 112], sizes = [16, 16], strides = [1, 1]} : vector<16x128xi32> to vector<16x16xi32>
    %slice3A_899 = vector.extract_strided_slice %add3A_894 {offsets = [0, 0], sizes = [16, 112], strides = [1, 1]} : vector<16x128xi32> to vector<16x112xi32>
    %concatenate3A_900 = tpu.concatenate %slice3A_898, %slice3A_899 in 1 : vector<16x16xi32>, vector<16x112xi32> -> vector<16x128xi32>
    %jit3A_901 = arith.constant 0 : i32
    %broadcast_in_dim3A_902 = vector.broadcast %jit3A_901 : i32 to vector<16x128xi32>
    %select_n3A_903 = arith.select %ge3A_897, %concatenate3A_900, %broadcast_in_dim3A_902 : vector<16x128xi1>, vector<16x128xi32>
    %add3A_904 = arith.addi %add3A_894, %select_n3A_903 : vector<16x128xi32>
    %ge3A_905 = arith.constant 32 : i32
    %ge3A_906 = vector.broadcast %ge3A_905 : i32 to vector<16x128xi32>
    %ge3A_907 = arith.cmpi sge, %iota3A, %ge3A_906 : vector<16x128xi32>
    %slice3A_908 = vector.extract_strided_slice %add3A_904 {offsets = [0, 96], sizes = [16, 32], strides = [1, 1]} : vector<16x128xi32> to vector<16x32xi32>
    %slice3A_909 = vector.extract_strided_slice %add3A_904 {offsets = [0, 0], sizes = [16, 96], strides = [1, 1]} : vector<16x128xi32> to vector<16x96xi32>
    %concatenate3A_910 = tpu.concatenate %slice3A_908, %slice3A_909 in 1 : vector<16x32xi32>, vector<16x96xi32> -> vector<16x128xi32>
    %jit3A_911 = arith.constant 0 : i32
    %broadcast_in_dim3A_912 = vector.broadcast %jit3A_911 : i32 to vector<16x128xi32>
    %select_n3A_913 = arith.select %ge3A_907, %concatenate3A_910, %broadcast_in_dim3A_912 : vector<16x128xi1>, vector<16x128xi32>
    %add3A_914 = arith.addi %add3A_904, %select_n3A_913 : vector<16x128xi32>
    %ge3A_915 = arith.constant 64 : i32
    %ge3A_916 = vector.broadcast %ge3A_915 : i32 to vector<16x128xi32>
    %ge3A_917 = arith.cmpi sge, %iota3A, %ge3A_916 : vector<16x128xi32>
    %slice3A_918 = vector.extract_strided_slice %add3A_914 {offsets = [0, 64], sizes = [16, 64], strides = [1, 1]} : vector<16x128xi32> to vector<16x64xi32>
    %slice3A_919 = vector.extract_strided_slice %add3A_914 {offsets = [0, 0], sizes = [16, 64], strides = [1, 1]} : vector<16x128xi32> to vector<16x64xi32>
    %concatenate3A_920 = tpu.concatenate %slice3A_918, %slice3A_919 in 1 : vector<16x64xi32>, vector<16x64xi32> -> vector<16x128xi32>
    %jit3A_921 = arith.constant 0 : i32
    %broadcast_in_dim3A_922 = vector.broadcast %jit3A_921 : i32 to vector<16x128xi32>
    %select_n3A_923 = arith.select %ge3A_917, %concatenate3A_920, %broadcast_in_dim3A_922 : vector<16x128xi1>, vector<16x128xi32>
    %add3A_924 = arith.addi %add3A_914, %select_n3A_923 : vector<16x128xi32>
    %slice3A_925 = vector.extract_strided_slice %add3A_924 {offsets = [0, 127], sizes = [16, 1], strides = [1, 1]} : vector<16x128xi32> to vector<16x1xi32>
    %squeeze3A_926 = vector.shape_cast %slice3A_925 : vector<16x1xi32> to vector<16xi32>
    %broadcast_in_dim3A_927 = vector.shape_cast %squeeze3A_926 : vector<16xi32> to vector<16x1xi32>
    %broadcast_in_dim3A_928 = vector.broadcast %broadcast_in_dim3A_927 : vector<16x1xi32> to vector<16x128xi32>
    %ge3A_929 = arith.constant 1 : i32
    %ge3A_930 = vector.broadcast %ge3A_929 : i32 to vector<16x128xi32>
    %ge3A_931 = arith.cmpi sge, %iota3A_2, %ge3A_930 : vector<16x128xi32>
    %slice3A_932 = vector.extract_strided_slice %broadcast_in_dim3A_928 {offsets = [15, 0], sizes = [1, 128], strides = [1, 1]} : vector<16x128xi32> to vector<1x128xi32>
    %slice3A_933 = vector.extract_strided_slice %broadcast_in_dim3A_928 {offsets = [0, 0], sizes = [15, 128], strides = [1, 1]} : vector<16x128xi32> to vector<15x128xi32>
    %concatenate3A_934 = tpu.concatenate %slice3A_932, %slice3A_933 in 0 : vector<1x128xi32>, vector<15x128xi32> -> vector<16x128xi32>
    %jit3A_935 = arith.constant 0 : i32
    %broadcast_in_dim3A_936 = vector.broadcast %jit3A_935 : i32 to vector<16x128xi32>
    %select_n3A_937 = arith.select %ge3A_931, %concatenate3A_934, %broadcast_in_dim3A_936 : vector<16x128xi1>, vector<16x128xi32>
    %add3A_938 = arith.addi %broadcast_in_dim3A_928, %select_n3A_937 : vector<16x128xi32>
    %ge3A_939 = arith.constant 2 : i32
    %ge3A_940 = vector.broadcast %ge3A_939 : i32 to vector<16x128xi32>
    %ge3A_941 = arith.cmpi sge, %iota3A_2, %ge3A_940 : vector<16x128xi32>
    %slice3A_942 = vector.extract_strided_slice %add3A_938 {offsets = [14, 0], sizes = [2, 128], strides = [1, 1]} : vector<16x128xi32> to vector<2x128xi32>
    %slice3A_943 = vector.extract_strided_slice %add3A_938 {offsets = [0, 0], sizes = [14, 128], strides = [1, 1]} : vector<16x128xi32> to vector<14x128xi32>
    %concatenate3A_944 = tpu.concatenate %slice3A_942, %slice3A_943 in 0 : vector<2x128xi32>, vector<14x128xi32> -> vector<16x128xi32>
    %jit3A_945 = arith.constant 0 : i32
    %broadcast_in_dim3A_946 = vector.broadcast %jit3A_945 : i32 to vector<16x128xi32>
    %select_n3A_947 = arith.select %ge3A_941, %concatenate3A_944, %broadcast_in_dim3A_946 : vector<16x128xi1>, vector<16x128xi32>
    %add3A_948 = arith.addi %add3A_938, %select_n3A_947 : vector<16x128xi32>
    %ge3A_949 = arith.constant 4 : i32
    %ge3A_950 = vector.broadcast %ge3A_949 : i32 to vector<16x128xi32>
    %ge3A_951 = arith.cmpi sge, %iota3A_2, %ge3A_950 : vector<16x128xi32>
    %slice3A_952 = vector.extract_strided_slice %add3A_948 {offsets = [12, 0], sizes = [4, 128], strides = [1, 1]} : vector<16x128xi32> to vector<4x128xi32>
    %slice3A_953 = vector.extract_strided_slice %add3A_948 {offsets = [0, 0], sizes = [12, 128], strides = [1, 1]} : vector<16x128xi32> to vector<12x128xi32>
    %concatenate3A_954 = tpu.concatenate %slice3A_952, %slice3A_953 in 0 : vector<4x128xi32>, vector<12x128xi32> -> vector<16x128xi32>
    %jit3A_955 = arith.constant 0 : i32
    %broadcast_in_dim3A_956 = vector.broadcast %jit3A_955 : i32 to vector<16x128xi32>
    %select_n3A_957 = arith.select %ge3A_951, %concatenate3A_954, %broadcast_in_dim3A_956 : vector<16x128xi1>, vector<16x128xi32>
    %add3A_958 = arith.addi %add3A_948, %select_n3A_957 : vector<16x128xi32>
    %ge3A_959 = arith.constant 8 : i32
    %ge3A_960 = vector.broadcast %ge3A_959 : i32 to vector<16x128xi32>
    %ge3A_961 = arith.cmpi sge, %iota3A_2, %ge3A_960 : vector<16x128xi32>
    %slice3A_962 = vector.extract_strided_slice %add3A_958 {offsets = [8, 0], sizes = [8, 128], strides = [1, 1]} : vector<16x128xi32> to vector<8x128xi32>
    %slice3A_963 = vector.extract_strided_slice %add3A_958 {offsets = [0, 0], sizes = [8, 128], strides = [1, 1]} : vector<16x128xi32> to vector<8x128xi32>
    %concatenate3A_964 = tpu.concatenate %slice3A_962, %slice3A_963 in 0 : vector<8x128xi32>, vector<8x128xi32> -> vector<16x128xi32>
    %jit3A_965 = arith.constant 0 : i32
    %broadcast_in_dim3A_966 = vector.broadcast %jit3A_965 : i32 to vector<16x128xi32>
    %select_n3A_967 = arith.select %ge3A_961, %concatenate3A_964, %broadcast_in_dim3A_966 : vector<16x128xi1>, vector<16x128xi32>
    %add3A_968 = arith.addi %add3A_958, %select_n3A_967 : vector<16x128xi32>
    %sub3A_969 = arith.subi %add3A_968, %broadcast_in_dim3A_928 : vector<16x128xi32>
    %add3A_970 = arith.addi %add3A_924, %sub3A_969 : vector<16x128xi32>
    %reduce_max3A_971 = vector.shape_cast %add3A_968 : vector<16x128xi32> to vector<1x16x128xi32>
    %reduce_max3A_972 = arith.constant dense<-2147483648> : vector<1xi32>
    %reduce_max3A_973 = vector.multi_reduction <maxsi>, %reduce_max3A_971, %reduce_max3A_972 [1, 2] : vector<1x16x128xi32> to vector<1xi32>
    %reduce_max3A_974 = vector.shape_cast %reduce_max3A_973 : vector<1xi32> to vector<1x1x1xi32>
    %reduce_max3A_975 = vector.extract %reduce_max3A_974[0, 0, 0] : i32 from vector<1x1x1xi32>
    %mul3A_976 = arith.constant 128 : i32
    %mul3A_977 = arith.muli %add3A_841, %mul3A_976 : i32
    %sub3A_978 = arith.constant 1 : i32
    %sub3A_979 = vector.broadcast %sub3A_978 : i32 to vector<16x128xi32>
    %sub3A_980 = arith.subi %add3A_970, %sub3A_979 : vector<16x128xi32>
    %add3A_981 = vector.broadcast %mul3A_977 : i32 to vector<16x128xi32>
    %add3A_982 = arith.addi %sub3A_980, %add3A_981 : vector<16x128xi32>
    %mul3A_983 = arith.muli %convert_element_type3A_854, %add3A_982 : vector<16x128xi32>
    %add3A_984 = arith.addi %add3A_812, %mul3A_983 : vector<16x128xi32>
    %add3A_985 = arith.constant 128 : i32
    %add3A_986 = arith.addi %reduce_max3A_975, %add3A_985 : i32
    %sub3A_987 = arith.constant 1 : i32
    %sub3A_988 = arith.subi %add3A_986, %sub3A_987 : i32
    %jit3A_989 = arith.constant 128 : i32
    %div3A_990 = arith.divsi %sub3A_988, %jit3A_989 : i32
    %sign3A_991 = arith.constant 0 : i32
    %sign3A_992 = arith.cmpi sgt, %sub3A_988, %sign3A_991 : i32
    %sign3A_993 = arith.extui %sign3A_992 : i1 to i32
    %sign3A_994 = arith.constant 0 : i32
    %sign3A_995 = arith.cmpi slt, %sub3A_988, %sign3A_994 : i32
    %sign3A_996 = arith.extui %sign3A_995 : i1 to i32
    %sign3A_997 = arith.subi %sign3A_993, %sign3A_996 : i32
    %sign3A_998 = arith.constant 0 : i32
    %sign3A_999 = arith.cmpi sgt, %jit3A_989, %sign3A_998 : i32
    %sign3A_1000 = arith.extui %sign3A_999 : i1 to i32
    %sign3A_1001 = arith.constant 0 : i32
    %sign3A_1002 = arith.cmpi slt, %jit3A_989, %sign3A_1001 : i32
    %sign3A_1003 = arith.extui %sign3A_1002 : i1 to i32
    %sign3A_1004 = arith.subi %sign3A_1000, %sign3A_1003 : i32
    %ne3A_1005 = arith.cmpi ne, %sign3A_997, %sign3A_1004 : i32
    %rem3A_1006 = arith.remsi %sub3A_988, %jit3A_989 : i32
    %ne3A_1007 = arith.constant 0 : i32
    %ne3A_1008 = arith.cmpi ne, %rem3A_1006, %ne3A_1007 : i32
    %and3A_1009 = arith.andi %ne3A_1005, %ne3A_1008 : i1
    %sub3A_1010 = arith.constant 1 : i32
    %sub3A_1011 = arith.subi %div3A_990, %sub3A_1010 : i32
    %select_n3A_1012 = arith.select %and3A_1009, %sub3A_1011, %div3A_990 : i32
    %add3A_1013 = arith.addi %add3A_841, %select_n3A_1012 : i32
    %slice3A_1014 = vector.extract_strided_slice %iota3A {offsets = [0, 0], sizes = [1, 128], strides = [1, 1]} : vector<16x128xi32> to vector<1x128xi32>
    %ge3A_1015 = vector.broadcast %add3A_1013 : i32 to vector<1x128xi32>
    %ge3A_1016 = arith.cmpi sge, %slice3A_1014, %ge3A_1015 : vector<1x128xi32>
    %jit3A_1017 = arith.constant 1 : i32
    %jit3A_1018 = arith.constant 0 : i32
    %broadcast_in_dim3A_1019 = vector.broadcast %jit3A_1017 : i32 to vector<1x128xi32>
    %broadcast_in_dim3A_1020 = vector.broadcast %jit3A_1018 : i32 to vector<1x128xi32>
    %select_n3A_1021 = arith.select %ge3A_1016, %broadcast_in_dim3A_1019, %broadcast_in_dim3A_1020 : vector<1x128xi1>, vector<1x128xi32>
    %add3A_1022 = arith.addi %add3A_850, %select_n3A_1021 : vector<1x128xi32>
    %eq3A_1023 = arith.constant 6 : i32
    %eq3A_1024 = vector.broadcast %eq3A_1023 : i32 to vector<16x128xi32>
    %eq3A_1025 = arith.cmpi eq, %get3A_1, %eq3A_1024 : vector<16x128xi32>
    %convert_element_type3A_1026 = arith.extui %eq3A_1025 : vector<16x128xi1> to vector<16x128xi32>
    %ge3A_1027 = arith.constant 1 : i32
    %ge3A_1028 = vector.broadcast %ge3A_1027 : i32 to vector<16x128xi32>
    %ge3A_1029 = arith.cmpi sge, %iota3A, %ge3A_1028 : vector<16x128xi32>
    %slice3A_1030 = vector.extract_strided_slice %convert_element_type3A_1026 {offsets = [0, 127], sizes = [16, 1], strides = [1, 1]} : vector<16x128xi32> to vector<16x1xi32>
    %slice3A_1031 = vector.extract_strided_slice %convert_element_type3A_1026 {offsets = [0, 0], sizes = [16, 127], strides = [1, 1]} : vector<16x128xi32> to vector<16x127xi32>
    %concatenate3A_1032 = tpu.concatenate %slice3A_1030, %slice3A_1031 in 1 : vector<16x1xi32>, vector<16x127xi32> -> vector<16x128xi32>
    %jit3A_1033 = arith.constant 0 : i32
    %broadcast_in_dim3A_1034 = vector.broadcast %jit3A_1033 : i32 to vector<16x128xi32>
    %select_n3A_1035 = arith.select %ge3A_1029, %concatenate3A_1032, %broadcast_in_dim3A_1034 : vector<16x128xi1>, vector<16x128xi32>
    %add3A_1036 = arith.addi %convert_element_type3A_1026, %select_n3A_1035 : vector<16x128xi32>
    %ge3A_1037 = arith.constant 2 : i32
    %ge3A_1038 = vector.broadcast %ge3A_1037 : i32 to vector<16x128xi32>
    %ge3A_1039 = arith.cmpi sge, %iota3A, %ge3A_1038 : vector<16x128xi32>
    %slice3A_1040 = vector.extract_strided_slice %add3A_1036 {offsets = [0, 126], sizes = [16, 2], strides = [1, 1]} : vector<16x128xi32> to vector<16x2xi32>
    %slice3A_1041 = vector.extract_strided_slice %add3A_1036 {offsets = [0, 0], sizes = [16, 126], strides = [1, 1]} : vector<16x128xi32> to vector<16x126xi32>
    %concatenate3A_1042 = tpu.concatenate %slice3A_1040, %slice3A_1041 in 1 : vector<16x2xi32>, vector<16x126xi32> -> vector<16x128xi32>
    %jit3A_1043 = arith.constant 0 : i32
    %broadcast_in_dim3A_1044 = vector.broadcast %jit3A_1043 : i32 to vector<16x128xi32>
    %select_n3A_1045 = arith.select %ge3A_1039, %concatenate3A_1042, %broadcast_in_dim3A_1044 : vector<16x128xi1>, vector<16x128xi32>
    %add3A_1046 = arith.addi %add3A_1036, %select_n3A_1045 : vector<16x128xi32>
    %ge3A_1047 = arith.constant 4 : i32
    %ge3A_1048 = vector.broadcast %ge3A_1047 : i32 to vector<16x128xi32>
    %ge3A_1049 = arith.cmpi sge, %iota3A, %ge3A_1048 : vector<16x128xi32>
    %slice3A_1050 = vector.extract_strided_slice %add3A_1046 {offsets = [0, 124], sizes = [16, 4], strides = [1, 1]} : vector<16x128xi32> to vector<16x4xi32>
    %slice3A_1051 = vector.extract_strided_slice %add3A_1046 {offsets = [0, 0], sizes = [16, 124], strides = [1, 1]} : vector<16x128xi32> to vector<16x124xi32>
    %concatenate3A_1052 = tpu.concatenate %slice3A_1050, %slice3A_1051 in 1 : vector<16x4xi32>, vector<16x124xi32> -> vector<16x128xi32>
    %jit3A_1053 = arith.constant 0 : i32
    %broadcast_in_dim3A_1054 = vector.broadcast %jit3A_1053 : i32 to vector<16x128xi32>
    %select_n3A_1055 = arith.select %ge3A_1049, %concatenate3A_1052, %broadcast_in_dim3A_1054 : vector<16x128xi1>, vector<16x128xi32>
    %add3A_1056 = arith.addi %add3A_1046, %select_n3A_1055 : vector<16x128xi32>
    %ge3A_1057 = arith.constant 8 : i32
    %ge3A_1058 = vector.broadcast %ge3A_1057 : i32 to vector<16x128xi32>
    %ge3A_1059 = arith.cmpi sge, %iota3A, %ge3A_1058 : vector<16x128xi32>
    %slice3A_1060 = vector.extract_strided_slice %add3A_1056 {offsets = [0, 120], sizes = [16, 8], strides = [1, 1]} : vector<16x128xi32> to vector<16x8xi32>
    %slice3A_1061 = vector.extract_strided_slice %add3A_1056 {offsets = [0, 0], sizes = [16, 120], strides = [1, 1]} : vector<16x128xi32> to vector<16x120xi32>
    %concatenate3A_1062 = tpu.concatenate %slice3A_1060, %slice3A_1061 in 1 : vector<16x8xi32>, vector<16x120xi32> -> vector<16x128xi32>
    %jit3A_1063 = arith.constant 0 : i32
    %broadcast_in_dim3A_1064 = vector.broadcast %jit3A_1063 : i32 to vector<16x128xi32>
    %select_n3A_1065 = arith.select %ge3A_1059, %concatenate3A_1062, %broadcast_in_dim3A_1064 : vector<16x128xi1>, vector<16x128xi32>
    %add3A_1066 = arith.addi %add3A_1056, %select_n3A_1065 : vector<16x128xi32>
    %ge3A_1067 = arith.constant 16 : i32
    %ge3A_1068 = vector.broadcast %ge3A_1067 : i32 to vector<16x128xi32>
    %ge3A_1069 = arith.cmpi sge, %iota3A, %ge3A_1068 : vector<16x128xi32>
    %slice3A_1070 = vector.extract_strided_slice %add3A_1066 {offsets = [0, 112], sizes = [16, 16], strides = [1, 1]} : vector<16x128xi32> to vector<16x16xi32>
    %slice3A_1071 = vector.extract_strided_slice %add3A_1066 {offsets = [0, 0], sizes = [16, 112], strides = [1, 1]} : vector<16x128xi32> to vector<16x112xi32>
    %concatenate3A_1072 = tpu.concatenate %slice3A_1070, %slice3A_1071 in 1 : vector<16x16xi32>, vector<16x112xi32> -> vector<16x128xi32>
    %jit3A_1073 = arith.constant 0 : i32
    %broadcast_in_dim3A_1074 = vector.broadcast %jit3A_1073 : i32 to vector<16x128xi32>
    %select_n3A_1075 = arith.select %ge3A_1069, %concatenate3A_1072, %broadcast_in_dim3A_1074 : vector<16x128xi1>, vector<16x128xi32>
    %add3A_1076 = arith.addi %add3A_1066, %select_n3A_1075 : vector<16x128xi32>
    %ge3A_1077 = arith.constant 32 : i32
    %ge3A_1078 = vector.broadcast %ge3A_1077 : i32 to vector<16x128xi32>
    %ge3A_1079 = arith.cmpi sge, %iota3A, %ge3A_1078 : vector<16x128xi32>
    %slice3A_1080 = vector.extract_strided_slice %add3A_1076 {offsets = [0, 96], sizes = [16, 32], strides = [1, 1]} : vector<16x128xi32> to vector<16x32xi32>
    %slice3A_1081 = vector.extract_strided_slice %add3A_1076 {offsets = [0, 0], sizes = [16, 96], strides = [1, 1]} : vector<16x128xi32> to vector<16x96xi32>
    %concatenate3A_1082 = tpu.concatenate %slice3A_1080, %slice3A_1081 in 1 : vector<16x32xi32>, vector<16x96xi32> -> vector<16x128xi32>
    %jit3A_1083 = arith.constant 0 : i32
    %broadcast_in_dim3A_1084 = vector.broadcast %jit3A_1083 : i32 to vector<16x128xi32>
    %select_n3A_1085 = arith.select %ge3A_1079, %concatenate3A_1082, %broadcast_in_dim3A_1084 : vector<16x128xi1>, vector<16x128xi32>
    %add3A_1086 = arith.addi %add3A_1076, %select_n3A_1085 : vector<16x128xi32>
    %ge3A_1087 = arith.constant 64 : i32
    %ge3A_1088 = vector.broadcast %ge3A_1087 : i32 to vector<16x128xi32>
    %ge3A_1089 = arith.cmpi sge, %iota3A, %ge3A_1088 : vector<16x128xi32>
    %slice3A_1090 = vector.extract_strided_slice %add3A_1086 {offsets = [0, 64], sizes = [16, 64], strides = [1, 1]} : vector<16x128xi32> to vector<16x64xi32>
    %slice3A_1091 = vector.extract_strided_slice %add3A_1086 {offsets = [0, 0], sizes = [16, 64], strides = [1, 1]} : vector<16x128xi32> to vector<16x64xi32>
    %concatenate3A_1092 = tpu.concatenate %slice3A_1090, %slice3A_1091 in 1 : vector<16x64xi32>, vector<16x64xi32> -> vector<16x128xi32>
    %jit3A_1093 = arith.constant 0 : i32
    %broadcast_in_dim3A_1094 = vector.broadcast %jit3A_1093 : i32 to vector<16x128xi32>
    %select_n3A_1095 = arith.select %ge3A_1089, %concatenate3A_1092, %broadcast_in_dim3A_1094 : vector<16x128xi1>, vector<16x128xi32>
    %add3A_1096 = arith.addi %add3A_1086, %select_n3A_1095 : vector<16x128xi32>
    %slice3A_1097 = vector.extract_strided_slice %add3A_1096 {offsets = [0, 127], sizes = [16, 1], strides = [1, 1]} : vector<16x128xi32> to vector<16x1xi32>
    %squeeze3A_1098 = vector.shape_cast %slice3A_1097 : vector<16x1xi32> to vector<16xi32>
    %broadcast_in_dim3A_1099 = vector.shape_cast %squeeze3A_1098 : vector<16xi32> to vector<16x1xi32>
    %broadcast_in_dim3A_1100 = vector.broadcast %broadcast_in_dim3A_1099 : vector<16x1xi32> to vector<16x128xi32>
    %ge3A_1101 = arith.constant 1 : i32
    %ge3A_1102 = vector.broadcast %ge3A_1101 : i32 to vector<16x128xi32>
    %ge3A_1103 = arith.cmpi sge, %iota3A_2, %ge3A_1102 : vector<16x128xi32>
    %slice3A_1104 = vector.extract_strided_slice %broadcast_in_dim3A_1100 {offsets = [15, 0], sizes = [1, 128], strides = [1, 1]} : vector<16x128xi32> to vector<1x128xi32>
    %slice3A_1105 = vector.extract_strided_slice %broadcast_in_dim3A_1100 {offsets = [0, 0], sizes = [15, 128], strides = [1, 1]} : vector<16x128xi32> to vector<15x128xi32>
    %concatenate3A_1106 = tpu.concatenate %slice3A_1104, %slice3A_1105 in 0 : vector<1x128xi32>, vector<15x128xi32> -> vector<16x128xi32>
    %jit3A_1107 = arith.constant 0 : i32
    %broadcast_in_dim3A_1108 = vector.broadcast %jit3A_1107 : i32 to vector<16x128xi32>
    %select_n3A_1109 = arith.select %ge3A_1103, %concatenate3A_1106, %broadcast_in_dim3A_1108 : vector<16x128xi1>, vector<16x128xi32>
    %add3A_1110 = arith.addi %broadcast_in_dim3A_1100, %select_n3A_1109 : vector<16x128xi32>
    %ge3A_1111 = arith.constant 2 : i32
    %ge3A_1112 = vector.broadcast %ge3A_1111 : i32 to vector<16x128xi32>
    %ge3A_1113 = arith.cmpi sge, %iota3A_2, %ge3A_1112 : vector<16x128xi32>
    %slice3A_1114 = vector.extract_strided_slice %add3A_1110 {offsets = [14, 0], sizes = [2, 128], strides = [1, 1]} : vector<16x128xi32> to vector<2x128xi32>
    %slice3A_1115 = vector.extract_strided_slice %add3A_1110 {offsets = [0, 0], sizes = [14, 128], strides = [1, 1]} : vector<16x128xi32> to vector<14x128xi32>
    %concatenate3A_1116 = tpu.concatenate %slice3A_1114, %slice3A_1115 in 0 : vector<2x128xi32>, vector<14x128xi32> -> vector<16x128xi32>
    %jit3A_1117 = arith.constant 0 : i32
    %broadcast_in_dim3A_1118 = vector.broadcast %jit3A_1117 : i32 to vector<16x128xi32>
    %select_n3A_1119 = arith.select %ge3A_1113, %concatenate3A_1116, %broadcast_in_dim3A_1118 : vector<16x128xi1>, vector<16x128xi32>
    %add3A_1120 = arith.addi %add3A_1110, %select_n3A_1119 : vector<16x128xi32>
    %ge3A_1121 = arith.constant 4 : i32
    %ge3A_1122 = vector.broadcast %ge3A_1121 : i32 to vector<16x128xi32>
    %ge3A_1123 = arith.cmpi sge, %iota3A_2, %ge3A_1122 : vector<16x128xi32>
    %slice3A_1124 = vector.extract_strided_slice %add3A_1120 {offsets = [12, 0], sizes = [4, 128], strides = [1, 1]} : vector<16x128xi32> to vector<4x128xi32>
    %slice3A_1125 = vector.extract_strided_slice %add3A_1120 {offsets = [0, 0], sizes = [12, 128], strides = [1, 1]} : vector<16x128xi32> to vector<12x128xi32>
    %concatenate3A_1126 = tpu.concatenate %slice3A_1124, %slice3A_1125 in 0 : vector<4x128xi32>, vector<12x128xi32> -> vector<16x128xi32>
    %jit3A_1127 = arith.constant 0 : i32
    %broadcast_in_dim3A_1128 = vector.broadcast %jit3A_1127 : i32 to vector<16x128xi32>
    %select_n3A_1129 = arith.select %ge3A_1123, %concatenate3A_1126, %broadcast_in_dim3A_1128 : vector<16x128xi1>, vector<16x128xi32>
    %add3A_1130 = arith.addi %add3A_1120, %select_n3A_1129 : vector<16x128xi32>
    %ge3A_1131 = arith.constant 8 : i32
    %ge3A_1132 = vector.broadcast %ge3A_1131 : i32 to vector<16x128xi32>
    %ge3A_1133 = arith.cmpi sge, %iota3A_2, %ge3A_1132 : vector<16x128xi32>
    %slice3A_1134 = vector.extract_strided_slice %add3A_1130 {offsets = [8, 0], sizes = [8, 128], strides = [1, 1]} : vector<16x128xi32> to vector<8x128xi32>
    %slice3A_1135 = vector.extract_strided_slice %add3A_1130 {offsets = [0, 0], sizes = [8, 128], strides = [1, 1]} : vector<16x128xi32> to vector<8x128xi32>
    %concatenate3A_1136 = tpu.concatenate %slice3A_1134, %slice3A_1135 in 0 : vector<8x128xi32>, vector<8x128xi32> -> vector<16x128xi32>
    %jit3A_1137 = arith.constant 0 : i32
    %broadcast_in_dim3A_1138 = vector.broadcast %jit3A_1137 : i32 to vector<16x128xi32>
    %select_n3A_1139 = arith.select %ge3A_1133, %concatenate3A_1136, %broadcast_in_dim3A_1138 : vector<16x128xi1>, vector<16x128xi32>
    %add3A_1140 = arith.addi %add3A_1130, %select_n3A_1139 : vector<16x128xi32>
    %sub3A_1141 = arith.subi %add3A_1140, %broadcast_in_dim3A_1100 : vector<16x128xi32>
    %add3A_1142 = arith.addi %add3A_1096, %sub3A_1141 : vector<16x128xi32>
    %reduce_max3A_1143 = vector.shape_cast %add3A_1140 : vector<16x128xi32> to vector<1x16x128xi32>
    %reduce_max3A_1144 = arith.constant dense<-2147483648> : vector<1xi32>
    %reduce_max3A_1145 = vector.multi_reduction <maxsi>, %reduce_max3A_1143, %reduce_max3A_1144 [1, 2] : vector<1x16x128xi32> to vector<1xi32>
    %reduce_max3A_1146 = vector.shape_cast %reduce_max3A_1145 : vector<1xi32> to vector<1x1x1xi32>
    %reduce_max3A_1147 = vector.extract %reduce_max3A_1146[0, 0, 0] : i32 from vector<1x1x1xi32>
    %mul3A_1148 = arith.constant 128 : i32
    %mul3A_1149 = arith.muli %add3A_1013, %mul3A_1148 : i32
    %sub3A_1150 = arith.constant 1 : i32
    %sub3A_1151 = vector.broadcast %sub3A_1150 : i32 to vector<16x128xi32>
    %sub3A_1152 = arith.subi %add3A_1142, %sub3A_1151 : vector<16x128xi32>
    %add3A_1153 = vector.broadcast %mul3A_1149 : i32 to vector<16x128xi32>
    %add3A_1154 = arith.addi %sub3A_1152, %add3A_1153 : vector<16x128xi32>
    %mul3A_1155 = arith.muli %convert_element_type3A_1026, %add3A_1154 : vector<16x128xi32>
    %add3A_1156 = arith.addi %add3A_984, %mul3A_1155 : vector<16x128xi32>
    %add3A_1157 = arith.constant 128 : i32
    %add3A_1158 = arith.addi %reduce_max3A_1147, %add3A_1157 : i32
    %sub3A_1159 = arith.constant 1 : i32
    %sub3A_1160 = arith.subi %add3A_1158, %sub3A_1159 : i32
    %jit3A_1161 = arith.constant 128 : i32
    %div3A_1162 = arith.divsi %sub3A_1160, %jit3A_1161 : i32
    %sign3A_1163 = arith.constant 0 : i32
    %sign3A_1164 = arith.cmpi sgt, %sub3A_1160, %sign3A_1163 : i32
    %sign3A_1165 = arith.extui %sign3A_1164 : i1 to i32
    %sign3A_1166 = arith.constant 0 : i32
    %sign3A_1167 = arith.cmpi slt, %sub3A_1160, %sign3A_1166 : i32
    %sign3A_1168 = arith.extui %sign3A_1167 : i1 to i32
    %sign3A_1169 = arith.subi %sign3A_1165, %sign3A_1168 : i32
    %sign3A_1170 = arith.constant 0 : i32
    %sign3A_1171 = arith.cmpi sgt, %jit3A_1161, %sign3A_1170 : i32
    %sign3A_1172 = arith.extui %sign3A_1171 : i1 to i32
    %sign3A_1173 = arith.constant 0 : i32
    %sign3A_1174 = arith.cmpi slt, %jit3A_1161, %sign3A_1173 : i32
    %sign3A_1175 = arith.extui %sign3A_1174 : i1 to i32
    %sign3A_1176 = arith.subi %sign3A_1172, %sign3A_1175 : i32
    %ne3A_1177 = arith.cmpi ne, %sign3A_1169, %sign3A_1176 : i32
    %rem3A_1178 = arith.remsi %sub3A_1160, %jit3A_1161 : i32
    %ne3A_1179 = arith.constant 0 : i32
    %ne3A_1180 = arith.cmpi ne, %rem3A_1178, %ne3A_1179 : i32
    %and3A_1181 = arith.andi %ne3A_1177, %ne3A_1180 : i1
    %sub3A_1182 = arith.constant 1 : i32
    %sub3A_1183 = arith.subi %div3A_1162, %sub3A_1182 : i32
    %select_n3A_1184 = arith.select %and3A_1181, %sub3A_1183, %div3A_1162 : i32
    %add3A_1185 = arith.addi %add3A_1013, %select_n3A_1184 : i32
    %slice3A_1186 = vector.extract_strided_slice %iota3A {offsets = [0, 0], sizes = [1, 128], strides = [1, 1]} : vector<16x128xi32> to vector<1x128xi32>
    %ge3A_1187 = vector.broadcast %add3A_1185 : i32 to vector<1x128xi32>
    %ge3A_1188 = arith.cmpi sge, %slice3A_1186, %ge3A_1187 : vector<1x128xi32>
    %jit3A_1189 = arith.constant 1 : i32
    %jit3A_1190 = arith.constant 0 : i32
    %broadcast_in_dim3A_1191 = vector.broadcast %jit3A_1189 : i32 to vector<1x128xi32>
    %broadcast_in_dim3A_1192 = vector.broadcast %jit3A_1190 : i32 to vector<1x128xi32>
    %select_n3A_1193 = arith.select %ge3A_1188, %broadcast_in_dim3A_1191, %broadcast_in_dim3A_1192 : vector<1x128xi1>, vector<1x128xi32>
    %add3A_1194 = arith.addi %add3A_1022, %select_n3A_1193 : vector<1x128xi32>
    %eq3A_1195 = arith.constant 7 : i32
    %eq3A_1196 = vector.broadcast %eq3A_1195 : i32 to vector<16x128xi32>
    %eq3A_1197 = arith.cmpi eq, %get3A_1, %eq3A_1196 : vector<16x128xi32>
    %convert_element_type3A_1198 = arith.extui %eq3A_1197 : vector<16x128xi1> to vector<16x128xi32>
    %ge3A_1199 = arith.constant 1 : i32
    %ge3A_1200 = vector.broadcast %ge3A_1199 : i32 to vector<16x128xi32>
    %ge3A_1201 = arith.cmpi sge, %iota3A, %ge3A_1200 : vector<16x128xi32>
    %slice3A_1202 = vector.extract_strided_slice %convert_element_type3A_1198 {offsets = [0, 127], sizes = [16, 1], strides = [1, 1]} : vector<16x128xi32> to vector<16x1xi32>
    %slice3A_1203 = vector.extract_strided_slice %convert_element_type3A_1198 {offsets = [0, 0], sizes = [16, 127], strides = [1, 1]} : vector<16x128xi32> to vector<16x127xi32>
    %concatenate3A_1204 = tpu.concatenate %slice3A_1202, %slice3A_1203 in 1 : vector<16x1xi32>, vector<16x127xi32> -> vector<16x128xi32>
    %jit3A_1205 = arith.constant 0 : i32
    %broadcast_in_dim3A_1206 = vector.broadcast %jit3A_1205 : i32 to vector<16x128xi32>
    %select_n3A_1207 = arith.select %ge3A_1201, %concatenate3A_1204, %broadcast_in_dim3A_1206 : vector<16x128xi1>, vector<16x128xi32>
    %add3A_1208 = arith.addi %convert_element_type3A_1198, %select_n3A_1207 : vector<16x128xi32>
    %ge3A_1209 = arith.constant 2 : i32
    %ge3A_1210 = vector.broadcast %ge3A_1209 : i32 to vector<16x128xi32>
    %ge3A_1211 = arith.cmpi sge, %iota3A, %ge3A_1210 : vector<16x128xi32>
    %slice3A_1212 = vector.extract_strided_slice %add3A_1208 {offsets = [0, 126], sizes = [16, 2], strides = [1, 1]} : vector<16x128xi32> to vector<16x2xi32>
    %slice3A_1213 = vector.extract_strided_slice %add3A_1208 {offsets = [0, 0], sizes = [16, 126], strides = [1, 1]} : vector<16x128xi32> to vector<16x126xi32>
    %concatenate3A_1214 = tpu.concatenate %slice3A_1212, %slice3A_1213 in 1 : vector<16x2xi32>, vector<16x126xi32> -> vector<16x128xi32>
    %jit3A_1215 = arith.constant 0 : i32
    %broadcast_in_dim3A_1216 = vector.broadcast %jit3A_1215 : i32 to vector<16x128xi32>
    %select_n3A_1217 = arith.select %ge3A_1211, %concatenate3A_1214, %broadcast_in_dim3A_1216 : vector<16x128xi1>, vector<16x128xi32>
    %add3A_1218 = arith.addi %add3A_1208, %select_n3A_1217 : vector<16x128xi32>
    %ge3A_1219 = arith.constant 4 : i32
    %ge3A_1220 = vector.broadcast %ge3A_1219 : i32 to vector<16x128xi32>
    %ge3A_1221 = arith.cmpi sge, %iota3A, %ge3A_1220 : vector<16x128xi32>
    %slice3A_1222 = vector.extract_strided_slice %add3A_1218 {offsets = [0, 124], sizes = [16, 4], strides = [1, 1]} : vector<16x128xi32> to vector<16x4xi32>
    %slice3A_1223 = vector.extract_strided_slice %add3A_1218 {offsets = [0, 0], sizes = [16, 124], strides = [1, 1]} : vector<16x128xi32> to vector<16x124xi32>
    %concatenate3A_1224 = tpu.concatenate %slice3A_1222, %slice3A_1223 in 1 : vector<16x4xi32>, vector<16x124xi32> -> vector<16x128xi32>
    %jit3A_1225 = arith.constant 0 : i32
    %broadcast_in_dim3A_1226 = vector.broadcast %jit3A_1225 : i32 to vector<16x128xi32>
    %select_n3A_1227 = arith.select %ge3A_1221, %concatenate3A_1224, %broadcast_in_dim3A_1226 : vector<16x128xi1>, vector<16x128xi32>
    %add3A_1228 = arith.addi %add3A_1218, %select_n3A_1227 : vector<16x128xi32>
    %ge3A_1229 = arith.constant 8 : i32
    %ge3A_1230 = vector.broadcast %ge3A_1229 : i32 to vector<16x128xi32>
    %ge3A_1231 = arith.cmpi sge, %iota3A, %ge3A_1230 : vector<16x128xi32>
    %slice3A_1232 = vector.extract_strided_slice %add3A_1228 {offsets = [0, 120], sizes = [16, 8], strides = [1, 1]} : vector<16x128xi32> to vector<16x8xi32>
    %slice3A_1233 = vector.extract_strided_slice %add3A_1228 {offsets = [0, 0], sizes = [16, 120], strides = [1, 1]} : vector<16x128xi32> to vector<16x120xi32>
    %concatenate3A_1234 = tpu.concatenate %slice3A_1232, %slice3A_1233 in 1 : vector<16x8xi32>, vector<16x120xi32> -> vector<16x128xi32>
    %jit3A_1235 = arith.constant 0 : i32
    %broadcast_in_dim3A_1236 = vector.broadcast %jit3A_1235 : i32 to vector<16x128xi32>
    %select_n3A_1237 = arith.select %ge3A_1231, %concatenate3A_1234, %broadcast_in_dim3A_1236 : vector<16x128xi1>, vector<16x128xi32>
    %add3A_1238 = arith.addi %add3A_1228, %select_n3A_1237 : vector<16x128xi32>
    %ge3A_1239 = arith.constant 16 : i32
    %ge3A_1240 = vector.broadcast %ge3A_1239 : i32 to vector<16x128xi32>
    %ge3A_1241 = arith.cmpi sge, %iota3A, %ge3A_1240 : vector<16x128xi32>
    %slice3A_1242 = vector.extract_strided_slice %add3A_1238 {offsets = [0, 112], sizes = [16, 16], strides = [1, 1]} : vector<16x128xi32> to vector<16x16xi32>
    %slice3A_1243 = vector.extract_strided_slice %add3A_1238 {offsets = [0, 0], sizes = [16, 112], strides = [1, 1]} : vector<16x128xi32> to vector<16x112xi32>
    %concatenate3A_1244 = tpu.concatenate %slice3A_1242, %slice3A_1243 in 1 : vector<16x16xi32>, vector<16x112xi32> -> vector<16x128xi32>
    %jit3A_1245 = arith.constant 0 : i32
    %broadcast_in_dim3A_1246 = vector.broadcast %jit3A_1245 : i32 to vector<16x128xi32>
    %select_n3A_1247 = arith.select %ge3A_1241, %concatenate3A_1244, %broadcast_in_dim3A_1246 : vector<16x128xi1>, vector<16x128xi32>
    %add3A_1248 = arith.addi %add3A_1238, %select_n3A_1247 : vector<16x128xi32>
    %ge3A_1249 = arith.constant 32 : i32
    %ge3A_1250 = vector.broadcast %ge3A_1249 : i32 to vector<16x128xi32>
    %ge3A_1251 = arith.cmpi sge, %iota3A, %ge3A_1250 : vector<16x128xi32>
    %slice3A_1252 = vector.extract_strided_slice %add3A_1248 {offsets = [0, 96], sizes = [16, 32], strides = [1, 1]} : vector<16x128xi32> to vector<16x32xi32>
    %slice3A_1253 = vector.extract_strided_slice %add3A_1248 {offsets = [0, 0], sizes = [16, 96], strides = [1, 1]} : vector<16x128xi32> to vector<16x96xi32>
    %concatenate3A_1254 = tpu.concatenate %slice3A_1252, %slice3A_1253 in 1 : vector<16x32xi32>, vector<16x96xi32> -> vector<16x128xi32>
    %jit3A_1255 = arith.constant 0 : i32
    %broadcast_in_dim3A_1256 = vector.broadcast %jit3A_1255 : i32 to vector<16x128xi32>
    %select_n3A_1257 = arith.select %ge3A_1251, %concatenate3A_1254, %broadcast_in_dim3A_1256 : vector<16x128xi1>, vector<16x128xi32>
    %add3A_1258 = arith.addi %add3A_1248, %select_n3A_1257 : vector<16x128xi32>
    %ge3A_1259 = arith.constant 64 : i32
    %ge3A_1260 = vector.broadcast %ge3A_1259 : i32 to vector<16x128xi32>
    %ge3A_1261 = arith.cmpi sge, %iota3A, %ge3A_1260 : vector<16x128xi32>
    %slice3A_1262 = vector.extract_strided_slice %add3A_1258 {offsets = [0, 64], sizes = [16, 64], strides = [1, 1]} : vector<16x128xi32> to vector<16x64xi32>
    %slice3A_1263 = vector.extract_strided_slice %add3A_1258 {offsets = [0, 0], sizes = [16, 64], strides = [1, 1]} : vector<16x128xi32> to vector<16x64xi32>
    %concatenate3A_1264 = tpu.concatenate %slice3A_1262, %slice3A_1263 in 1 : vector<16x64xi32>, vector<16x64xi32> -> vector<16x128xi32>
    %jit3A_1265 = arith.constant 0 : i32
    %broadcast_in_dim3A_1266 = vector.broadcast %jit3A_1265 : i32 to vector<16x128xi32>
    %select_n3A_1267 = arith.select %ge3A_1261, %concatenate3A_1264, %broadcast_in_dim3A_1266 : vector<16x128xi1>, vector<16x128xi32>
    %add3A_1268 = arith.addi %add3A_1258, %select_n3A_1267 : vector<16x128xi32>
    %slice3A_1269 = vector.extract_strided_slice %add3A_1268 {offsets = [0, 127], sizes = [16, 1], strides = [1, 1]} : vector<16x128xi32> to vector<16x1xi32>
    %squeeze3A_1270 = vector.shape_cast %slice3A_1269 : vector<16x1xi32> to vector<16xi32>
    %broadcast_in_dim3A_1271 = vector.shape_cast %squeeze3A_1270 : vector<16xi32> to vector<16x1xi32>
    %broadcast_in_dim3A_1272 = vector.broadcast %broadcast_in_dim3A_1271 : vector<16x1xi32> to vector<16x128xi32>
    %ge3A_1273 = arith.constant 1 : i32
    %ge3A_1274 = vector.broadcast %ge3A_1273 : i32 to vector<16x128xi32>
    %ge3A_1275 = arith.cmpi sge, %iota3A_2, %ge3A_1274 : vector<16x128xi32>
    %slice3A_1276 = vector.extract_strided_slice %broadcast_in_dim3A_1272 {offsets = [15, 0], sizes = [1, 128], strides = [1, 1]} : vector<16x128xi32> to vector<1x128xi32>
    %slice3A_1277 = vector.extract_strided_slice %broadcast_in_dim3A_1272 {offsets = [0, 0], sizes = [15, 128], strides = [1, 1]} : vector<16x128xi32> to vector<15x128xi32>
    %concatenate3A_1278 = tpu.concatenate %slice3A_1276, %slice3A_1277 in 0 : vector<1x128xi32>, vector<15x128xi32> -> vector<16x128xi32>
    %jit3A_1279 = arith.constant 0 : i32
    %broadcast_in_dim3A_1280 = vector.broadcast %jit3A_1279 : i32 to vector<16x128xi32>
    %select_n3A_1281 = arith.select %ge3A_1275, %concatenate3A_1278, %broadcast_in_dim3A_1280 : vector<16x128xi1>, vector<16x128xi32>
    %add3A_1282 = arith.addi %broadcast_in_dim3A_1272, %select_n3A_1281 : vector<16x128xi32>
    %ge3A_1283 = arith.constant 2 : i32
    %ge3A_1284 = vector.broadcast %ge3A_1283 : i32 to vector<16x128xi32>
    %ge3A_1285 = arith.cmpi sge, %iota3A_2, %ge3A_1284 : vector<16x128xi32>
    %slice3A_1286 = vector.extract_strided_slice %add3A_1282 {offsets = [14, 0], sizes = [2, 128], strides = [1, 1]} : vector<16x128xi32> to vector<2x128xi32>
    %slice3A_1287 = vector.extract_strided_slice %add3A_1282 {offsets = [0, 0], sizes = [14, 128], strides = [1, 1]} : vector<16x128xi32> to vector<14x128xi32>
    %concatenate3A_1288 = tpu.concatenate %slice3A_1286, %slice3A_1287 in 0 : vector<2x128xi32>, vector<14x128xi32> -> vector<16x128xi32>
    %jit3A_1289 = arith.constant 0 : i32
    %broadcast_in_dim3A_1290 = vector.broadcast %jit3A_1289 : i32 to vector<16x128xi32>
    %select_n3A_1291 = arith.select %ge3A_1285, %concatenate3A_1288, %broadcast_in_dim3A_1290 : vector<16x128xi1>, vector<16x128xi32>
    %add3A_1292 = arith.addi %add3A_1282, %select_n3A_1291 : vector<16x128xi32>
    %ge3A_1293 = arith.constant 4 : i32
    %ge3A_1294 = vector.broadcast %ge3A_1293 : i32 to vector<16x128xi32>
    %ge3A_1295 = arith.cmpi sge, %iota3A_2, %ge3A_1294 : vector<16x128xi32>
    %slice3A_1296 = vector.extract_strided_slice %add3A_1292 {offsets = [12, 0], sizes = [4, 128], strides = [1, 1]} : vector<16x128xi32> to vector<4x128xi32>
    %slice3A_1297 = vector.extract_strided_slice %add3A_1292 {offsets = [0, 0], sizes = [12, 128], strides = [1, 1]} : vector<16x128xi32> to vector<12x128xi32>
    %concatenate3A_1298 = tpu.concatenate %slice3A_1296, %slice3A_1297 in 0 : vector<4x128xi32>, vector<12x128xi32> -> vector<16x128xi32>
    %jit3A_1299 = arith.constant 0 : i32
    %broadcast_in_dim3A_1300 = vector.broadcast %jit3A_1299 : i32 to vector<16x128xi32>
    %select_n3A_1301 = arith.select %ge3A_1295, %concatenate3A_1298, %broadcast_in_dim3A_1300 : vector<16x128xi1>, vector<16x128xi32>
    %add3A_1302 = arith.addi %add3A_1292, %select_n3A_1301 : vector<16x128xi32>
    %ge3A_1303 = arith.constant 8 : i32
    %ge3A_1304 = vector.broadcast %ge3A_1303 : i32 to vector<16x128xi32>
    %ge3A_1305 = arith.cmpi sge, %iota3A_2, %ge3A_1304 : vector<16x128xi32>
    %slice3A_1306 = vector.extract_strided_slice %add3A_1302 {offsets = [8, 0], sizes = [8, 128], strides = [1, 1]} : vector<16x128xi32> to vector<8x128xi32>
    %slice3A_1307 = vector.extract_strided_slice %add3A_1302 {offsets = [0, 0], sizes = [8, 128], strides = [1, 1]} : vector<16x128xi32> to vector<8x128xi32>
    %concatenate3A_1308 = tpu.concatenate %slice3A_1306, %slice3A_1307 in 0 : vector<8x128xi32>, vector<8x128xi32> -> vector<16x128xi32>
    %jit3A_1309 = arith.constant 0 : i32
    %broadcast_in_dim3A_1310 = vector.broadcast %jit3A_1309 : i32 to vector<16x128xi32>
    %select_n3A_1311 = arith.select %ge3A_1305, %concatenate3A_1308, %broadcast_in_dim3A_1310 : vector<16x128xi1>, vector<16x128xi32>
    %add3A_1312 = arith.addi %add3A_1302, %select_n3A_1311 : vector<16x128xi32>
    %sub3A_1313 = arith.subi %add3A_1312, %broadcast_in_dim3A_1272 : vector<16x128xi32>
    %add3A_1314 = arith.addi %add3A_1268, %sub3A_1313 : vector<16x128xi32>
    %reduce_max3A_1315 = vector.shape_cast %add3A_1312 : vector<16x128xi32> to vector<1x16x128xi32>
    %reduce_max3A_1316 = arith.constant dense<-2147483648> : vector<1xi32>
    %reduce_max3A_1317 = vector.multi_reduction <maxsi>, %reduce_max3A_1315, %reduce_max3A_1316 [1, 2] : vector<1x16x128xi32> to vector<1xi32>
    %reduce_max3A_1318 = vector.shape_cast %reduce_max3A_1317 : vector<1xi32> to vector<1x1x1xi32>
    %reduce_max3A_1319 = vector.extract %reduce_max3A_1318[0, 0, 0] : i32 from vector<1x1x1xi32>
    %mul3A_1320 = arith.constant 128 : i32
    %mul3A_1321 = arith.muli %add3A_1185, %mul3A_1320 : i32
    %sub3A_1322 = arith.constant 1 : i32
    %sub3A_1323 = vector.broadcast %sub3A_1322 : i32 to vector<16x128xi32>
    %sub3A_1324 = arith.subi %add3A_1314, %sub3A_1323 : vector<16x128xi32>
    %add3A_1325 = vector.broadcast %mul3A_1321 : i32 to vector<16x128xi32>
    %add3A_1326 = arith.addi %sub3A_1324, %add3A_1325 : vector<16x128xi32>
    %mul3A_1327 = arith.muli %convert_element_type3A_1198, %add3A_1326 : vector<16x128xi32>
    %add3A_1328 = arith.addi %add3A_1156, %mul3A_1327 : vector<16x128xi32>
    %add3A_1329 = arith.constant 128 : i32
    %add3A_1330 = arith.addi %reduce_max3A_1319, %add3A_1329 : i32
    %sub3A_1331 = arith.constant 1 : i32
    %sub3A_1332 = arith.subi %add3A_1330, %sub3A_1331 : i32
    %jit3A_1333 = arith.constant 128 : i32
    %div3A_1334 = arith.divsi %sub3A_1332, %jit3A_1333 : i32
    %sign3A_1335 = arith.constant 0 : i32
    %sign3A_1336 = arith.cmpi sgt, %sub3A_1332, %sign3A_1335 : i32
    %sign3A_1337 = arith.extui %sign3A_1336 : i1 to i32
    %sign3A_1338 = arith.constant 0 : i32
    %sign3A_1339 = arith.cmpi slt, %sub3A_1332, %sign3A_1338 : i32
    %sign3A_1340 = arith.extui %sign3A_1339 : i1 to i32
    %sign3A_1341 = arith.subi %sign3A_1337, %sign3A_1340 : i32
    %sign3A_1342 = arith.constant 0 : i32
    %sign3A_1343 = arith.cmpi sgt, %jit3A_1333, %sign3A_1342 : i32
    %sign3A_1344 = arith.extui %sign3A_1343 : i1 to i32
    %sign3A_1345 = arith.constant 0 : i32
    %sign3A_1346 = arith.cmpi slt, %jit3A_1333, %sign3A_1345 : i32
    %sign3A_1347 = arith.extui %sign3A_1346 : i1 to i32
    %sign3A_1348 = arith.subi %sign3A_1344, %sign3A_1347 : i32
    %ne3A_1349 = arith.cmpi ne, %sign3A_1341, %sign3A_1348 : i32
    %rem3A_1350 = arith.remsi %sub3A_1332, %jit3A_1333 : i32
    %ne3A_1351 = arith.constant 0 : i32
    %ne3A_1352 = arith.cmpi ne, %rem3A_1350, %ne3A_1351 : i32
    %and3A_1353 = arith.andi %ne3A_1349, %ne3A_1352 : i1
    %sub3A_1354 = arith.constant 1 : i32
    %sub3A_1355 = arith.subi %div3A_1334, %sub3A_1354 : i32
    %select_n3A_1356 = arith.select %and3A_1353, %sub3A_1355, %div3A_1334 : i32
    %add3A_1357 = arith.addi %add3A_1185, %select_n3A_1356 : i32
    %slice3A_1358 = vector.extract_strided_slice %iota3A {offsets = [0, 0], sizes = [1, 128], strides = [1, 1]} : vector<16x128xi32> to vector<1x128xi32>
    %ge3A_1359 = vector.broadcast %add3A_1357 : i32 to vector<1x128xi32>
    %ge3A_1360 = arith.cmpi sge, %slice3A_1358, %ge3A_1359 : vector<1x128xi32>
    %jit3A_1361 = arith.constant 1 : i32
    %jit3A_1362 = arith.constant 0 : i32
    %broadcast_in_dim3A_1363 = vector.broadcast %jit3A_1361 : i32 to vector<1x128xi32>
    %broadcast_in_dim3A_1364 = vector.broadcast %jit3A_1362 : i32 to vector<1x128xi32>
    %select_n3A_1365 = arith.select %ge3A_1360, %broadcast_in_dim3A_1363, %broadcast_in_dim3A_1364 : vector<1x128xi1>, vector<1x128xi32>
    %add3A_1366 = arith.addi %add3A_1194, %select_n3A_1365 : vector<1x128xi32>
    %swap3A = arith.constant 0 : index
    %swap3A_1367 = arith.constant 0 : index
    %swap3A_1368 = vector.load %arg1[%swap3A, %swap3A_1367] : memref<16x128xi32, #tpu.memory_space<vmem>>, vector<16x128xi32>
    tpu.vector_store %arg1[%swap3A, %swap3A_1367], %add3A_1328 {strides = array<i32>} : memref<16x128xi32, #tpu.memory_space<vmem>>, vector<16x128xi32>,
    %min3A = arith.constant 7 : i32
    %min3A_1369 = vector.broadcast %min3A : i32 to vector<1x128xi32>
    %min3A_1370 = arith.minsi %add3A_1366, %min3A_1369 : vector<1x128xi32>
    %swap3A_1371 = arith.constant 0 : index
    %swap3A_1372 = arith.constant 0 : index
    %swap3A_1373 = vector.load %arg2[%swap3A_1371, %swap3A_1372] : memref<1x128xi32, #tpu.memory_space<vmem>>, vector<1x128xi32>
    tpu.vector_store %arg2[%swap3A_1371, %swap3A_1372], %min3A_1370 {strides = array<i32>} : memref<1x128xi32, #tpu.memory_space<vmem>>, vector<1x128xi32>,
    return
  }
}

</mosaic_0001>

<sc_bundles>
// kernel: kernel.6.cloned.1.call-start
scs
__scs_entry_jumppad:
0x0: {  	(pc) =	sbr.rel $0x88, $3  }
0x1: {  	(tag) =	ssettag $0x0;
	lr =	simm.s32 $0x1  }
0x2: {  	[smem:$0x3F9D] =	sst lr;
	_ =	strace $0xD0000000  }
0x3: {  	_ = 	snop  }
0x4: {  	_ = 	snop  }
0x5: {  	_ = 	snop  }
0x6: {  	_ = 	snop  }
0x7: {  	_ = 	snop  }
__scs_overlays_trampoline_lowered:
0x8: {  	[smem:$0x3FAC] =	sst s0  }
0x9: {  	[smem:$0x3FAD] =	sst s1  }
0xa: {  	[smem:$0x3FAE] =	sst s2  }
0xb: {  	[smem:$0x3FAF] =	sst s3  }
0xc: {  	[smem:$0x3FB0] =	sst s4  }
0xd: {  	[smem:$0x3FB1] =	sst s5  }
0xe: {  	[smem:$0x3FB2] =	sst s6  }
0xf: {  	[smem:$0x3FB3] =	sst s7  }
0x10: {  	[smem:$0x3FB4] =	sst s8  }
0x11: {  	[smem:$0x3FB5] =	sst s9;
	s0 =	simm.s32 @!p0 $0x0  }
0x12: {  	s1 =	sld [smem:$0x3F9B];
	s0 =	simm.s32 @p0 $0x1  }
0x13: {  	[smem:$0x3FB6] =	sst s0;
	s0 =	simm.s32 @!p1 $0x0  }
0x14: {  	s2 =	sld [smem:$0x3F9A];
	s0 =	simm.s32 @p1 $0x1  }
0x15: {  	[smem:$0x3FB7] =	sst s0;
	s0 =	simm.s32 @!p2 $0x0  }
0x16: {  	s3 =	sld [smem:$0x3FDB];
	s0 =	simm.s32 @p2 $0x1  }
0x17: {  	s4 =	simm.s32 $0x1BF5;
	[smem:$0x3FB9] =	sst s0  }
0x18: {  	s0 =	sld [smem:$0x3F9C];
	_ =	swait.ge [sflag:s4], $0x0  }
0x19: {  	s7 =	sld [smem:$0x3F9D]  }
0x1a: {  	s8 =	sadd.s32 $0xFFFFE003, lr  }
0x1b: {  	s9 =	sadd.s32 $0xFFFFFEF7, lr;
	s5 =	simm.s32 $0xFFFFFFFF;
	p2 =	slt.u32 s8, $0xFFFFF086  }
0x1c: {  	p1 =	slt.u32 s9, $0xF7A;
	s5 =	simm.s32 @!p2 $0x0  }
0x1d: {  	s5 =	simm.s32 @p1 $0x1;
	p0 =	seq.s32 s7, s2  }
0x1e: {  	s7 =	smul.u32 @!p0 $0xF7A, s2;
	p2 =	seq.s32 @!p0 s5, $0x0  }
0x1f: {  	s9 =	smul.u32 $0xF7A, s1;
	s8 =	simm.s32 @!p0 $0x1BF5;
	p2 =	por !p2, p0  }
0x20: {  	[sflag:s8] =	ssyncset.s32 @!p0 $0xFFFFF086;
	s6 =	sadd.s32 @!p0 s3, s7;
	s7 =	simm.s32 @!p0 $0x108  }
0x21: {  	s3 =	sadd.s32 s3, s9;
	s6 =	sadd.s32 @!p0 $0x88, s6;
	s7 =	simm.s32 @p2 $0x1082  }
0x22: {  	[simem:s7], [sflag:s8] =	dma.local @!p0 [hbm:s6], $0xF7A  }
0x23: {  	s9 =	sor.u32 $0xD0000000, s2;
	s6 =	simm.s32 $0x108;
	_ =	swait.ge @!p0 [sflag:s8], $0x0  }
0x24: {  	s3 =	sadd.s32 $0x88, s3;
	s6 =	simm.s32 @!p1 $0x1082;
	[sflag:s4] =	ssyncset.s32 $0xFFFFF086  }
0x25: {  	[simem:s6], [sflag:s4] =	dma.local [hbm:s3], $0xF7A  }
0x26: {  	[smem:$0x3F9D] =	sst s1;
	(tag) =	ssettag s2;
	_ =	strace s9  }
0x27: {  	s1 =	sld [smem:$0x3FAD]  }
0x28: {  	s2 =	sld [smem:$0x3FAE]  }
0x29: {  	s4 =	sld [smem:$0x3FB0]  }
0x2a: {  	p0 =	seq.s32 s5, $0x0;
	s5 =	sld [smem:$0x3FB1]  }
0x2b: {  	s6 =	sld [smem:$0x3FB2]  }
0x2c: {  	s7 =	sld [smem:$0x3FB3]  }
0x2d: {  	s3 =	simm.s32 $0x108;
	s8 =	sld [smem:$0x3FB4]  }
0x2e: {  	s3 =	simm.s32 @!p0 $0x1082;
	s9 =	sld [smem:$0x3FB5]  }
0x2f: {  	lr =	sadd.s32 s0, s3;
	s0 =	sld [smem:$0x3FAC]  }
0x30: {  	s3 =	sld [smem:$0x3FAF]  }
0x31: {  	[smem:$0x3FB8] =	sst s10  }
0x32: {  	s10 =	sld [smem:$0x3FB6];
	_ =	sdelay $0x3  }
0x33: {  	p0 =	seq.s32 s10, $0x1;
	s10 =	sld [smem:$0x3FB8];
	_ =	sdelay $0x3  }
0x34: {  	[smem:$0x3FB8] =	sst s10  }
0x35: {  	s10 =	sld [smem:$0x3FB7];
	_ =	sdelay $0x3  }
0x36: {  	p1 =	seq.s32 s10, $0x1;
	s10 =	sld [smem:$0x3FB8];
	_ =	sdelay $0x3  }
0x37: {  	[smem:$0x3FB8] =	sst s10  }
0x38: {  	s10 =	sld [smem:$0x3FB9]  }
0x39: {  	_ = 	snop;
	(pc) =	sbr.ind lr, $3  }
0x3a: {  	_ = 	snop  }
0x3b: {  	_ = 	snop  }
0x3c: {  	p2 =	seq.s32 s10, $0x1;
	s10 =	sld [smem:$0x3FB8]  }
0x3d: {  	_ =	shalt  }
0x3e: {  	_ =	shalt  }
0x3f: {  	_ =	shalt  }
0x40: {  	_ =	shalt  }
0x41: {  	_ =	shalt  }
0x42: {  	_ =	shalt  }
0x43: {  	_ =	shalt  }
0x44: {  	_ =	shalt  }
0x45: {  	_ =	shalt  }
0x46: {  	_ =	shalt  }
0x47: {  	_ =	shalt  }
0x48: {  	_ =	shalt  }
0x49: {  	_ =	shalt  }
0x4a: {  	_ =	shalt  }
0x4b: {  	_ =	shalt  }
0x4c: {  	_ =	shalt  }
0x4d: {  	_ =	shalt  }
0x4e: {  	_ =	shalt  }
0x4f: {  	_ =	shalt  }
0x50: {  	_ =	shalt  }
0x51: {  	_ =	shalt  }
0x52: {  	_ =	shalt  }
0x53: {  	_ =	shalt  }
0x54: {  	_ =	shalt  }
0x55: {  	_ =	shalt  }
0x56: {  	_ =	shalt  }
0x57: {  	_ =	shalt  }
0x58: {  	_ =	shalt  }
0x59: {  	_ =	shalt  }
0x5a: {  	_ =	shalt  }
0x5b: {  	_ =	shalt  }
0x5c: {  	_ =	shalt  }
0x5d: {  	_ =	shalt  }
0x5e: {  	_ =	shalt  }
0x5f: {  	_ =	shalt  }
0x60: {  	_ =	shalt  }
0x61: {  	_ =	shalt  }
0x62: {  	_ =	shalt  }
0x63: {  	_ =	shalt  }
0x64: {  	_ =	shalt  }
0x65: {  	_ =	shalt  }
0x66: {  	_ =	shalt  }
0x67: {  	_ =	shalt  }
0x68: {  	_ =	shalt  }
0x69: {  	_ =	shalt  }
0x6a: {  	_ =	shalt  }
0x6b: {  	_ =	shalt  }
0x6c: {  	_ =	shalt  }
0x6d: {  	_ =	shalt  }
0x6e: {  	_ =	shalt  }
0x6f: {  	_ =	shalt  }
0x70: {  	_ =	shalt  }
0x71: {  	_ =	shalt  }
0x72: {  	_ =	shalt  }
0x73: {  	_ =	shalt  }
0x74: {  	_ =	shalt  }
0x75: {  	_ =	shalt  }
0x76: {  	_ =	shalt  }
0x77: {  	_ =	shalt  }
0x78: {  	_ =	shalt  }
0x79: {  	_ =	shalt  }
0x7a: {  	_ =	shalt  }
0x7b: {  	_ =	shalt  }
0x7c: {  	_ =	shalt  }
0x7d: {  	_ =	shalt  }
0x7e: {  	_ =	shalt  }
0x7f: {  	_ =	shalt  }
0x80: {  	_ =	shalt  }
0x81: {  	_ =	shalt  }
0x82: {  	_ =	shalt  }
0x83: {  	_ =	shalt  }
0x84: {  	_ =	shalt  }
0x85: {  	_ =	shalt  }
0x86: {  	_ =	shalt  }
0x87: {  	_ =	shalt  }
.Lfunc_end0:
.L_simem_size_0:
called_computation_lowered:
.L_overlay_start_0:
0x88: {  	s2 =	sld [smem:$0x3FD9]  }
0x89: {  	s3 =	sld [smem:$0x3FFE];
	_ =	sdelay $0x1  }
0x8a: {  	s1 =	srdreg.scid  }
0x8b: {  	s0 =	sand.u32 $0x1, s1  }
0x8c: {  	s17 =	sshll.u32 s0, $0xA;
	s2 =	sadd.s32 s3, s2  }
0x8d: {  	s2 =	sadd.s32 s2, s17  }
0x8e: {  	[smem:$0x3FC4] =	sst s2  }
0x8f: {  	_ = 	snop  }
0x90: {  	s2 =	sld [smem:$0x3FC9];
	(tm) =	ssettm $0x1  }
0x91: {  	s18 =	sld [smem:$0x3FFB];
	_ =	sdelay $0x3  }
0x92: {  	_ =	strace s18  }
0x93: {  	s3 =	sld [smem:$0x3FFC];
	_ =	sdelay $0x3  }
0x94: {  	_ =	strace s3  }
0x95: {  	s3 =	sld [smem:$0x3FFD];
	_ =	sdelay $0x3  }
0x96: {  	_ =	strace s3  }
0x97: {  	_ =	strace $0x8FFFFFFF  }
0x98: {  	s19 =	sld [smem:$0x3FDB];
	_ =	sdelay $0x1  }
0x99: {  	s4 =	simm.s32 $_scs_section_size  }
0x9a: {  	s5 =	simm.s32 $_size__tile_overlayer_lowered;
	s6 =	simm.s32 $_tile_overlayer_lowered  }
0x9b: {  	s22 =	simm.s32 $0x1BFF;
	s21 =	sshll.u32 s6, $0x1;
	s3 =	sadd.s32 s4, s19  }
0x9c: {  	s7 =	simm.s32 $0x0;
	s20 =	sshll.u32 s5, $0x1;
	s5 =	sadd.s32 s21, s3  }
0x9d: {  	[timem:s7], [sflag:s22] =	dma.local [hbm:s5], s20  }
0x9e: {  	_ =	swait.ge [sflag:s22], s20  }
0x9f: {  	s4 =	ssub.s32 $0x0, s20;
	[sflag:s22] =	ssyncset.done $0x0  }
0xa0: {  	[sflag:s22] =	ssyncadd.s32 s4;
	_ =	sdelay $0x1  }
0xa1: {  	s23 =	simm.s32 $0x1B8B  }
0xa2: {  	_ =	swait.ge [sflag:s23], $0x1  }
0xa3: {  	[sflag:s23] =	ssyncset.done $0x0  }
0xa4: {  	s25 =	simm.s32 $0x1B8E;
	s24 =	sld [smem:$0x3FFE];
	[sflag:s23] =	ssyncadd.s32 $0xFFFFFFFF  }
0xa5: {  	s26 =	simm.s32 $execute0_lowered;
	[smem:$0x3FD2] =	sst s25  }
0xa6: {  	s5 =	sshll.u32 s26, $0x1;
	_ =	strace $0x80000046;
	[dreg:$0x1] =	wrdreg $0xFFFFFFFF  }
0xa7: {  	s28 =	simm.s32 $_size_execute0_lowered;
	s3 =	sadd.s32 s3, s5;
	[dreg:$0x0] =	wrdreg $0x0  }
0xa8: {  	s5 =	sshll.u32 s28, $0x1;
	[dreg:$0x2] =	wrdreg s3  }
0xa9: {  	[dreg:$0x3] =	wrdreg s5  }
0xaa: {  	[dreg:$0x4] =	wrdreg $0xC0  }
0xab: {  	_ =	task [dreg:s7], $0x5FFFF  }
0xac: {  	[dreg:$0x1] =	wrdreg $0xFFFFFFFF  }
0xad: {  	[dreg:$0x0] =	wrdreg $0x60  }
0xae: {  	[dreg:$0x2] =	wrdreg s2  }
0xaf: {  	[dreg:$0x3] =	wrdreg s24  }
0xb0: {  	[dreg:$0x4] =	wrdreg $0x9  }
0xb1: {  	_ =	task.clear_ibuf [dreg:s7], $0x5FFFF;
	_ =	strace $0x90000046  }
0xb2: {  	s29 =	simm.s32 $0x9;
	_ =	strace $0x80000048  }
0xb3: {  	_ =	swait.ge [sflag:s29], $0x1  }
0xb4: {  	[sflag:s29] =	ssyncadd.s32 $0xFFFFFFFF  }
0xb5: {  	_ =	strace $0x90000048  }
0xb6: {  	_ =	sfence  }
0xb7: {  	s30 =	sld [smem:$0x0];
	_ =	sdelay $0x2  }
0xb8: {  	s31 =	sshll.u32 s1, $0xD;
	s1 =	sshrl.u32 s1, $0x2  }
0xb9: {  	s3 =	sand.u32 $0x4000, s31;
	s1 =	sadd.s32 s1, s30  }
0xba: {  	s0 =	sor.u32 s3, s0;
	s1 =	sshll.u32 s1, $0x11  }
0xbb: {  	s0 =	sor.u32 s1, s0  }
0xbc: {  	s0 =	sadd.s32 $0x8F2B, s0  }
0xbd: {  	[sflag:s0] =	ssyncadd.remote.s32 $0x1  }
0xbe: {  	_ =	sfence.sel $0xFFFF  }
0xbf: {  	[dreg:$0x0] =	wrdreg $0xFFFFFFFF;
	(pc) =	sbr.abs _section_cstart, $3  }
0xc0: {  	[dreg:$0x1] =	wrdreg $0xFFFFFFFF  }
0xc1: {  	_ =	task.clear_ibuf [dreg:s7], $0x2FFFF;
	_ =	strace $0x9FFFFFFF  }
0xc2: {  	(tm) =	ssettm $0x7FFFFFFF  }
0xc3: {  	_ =	shalt  }
tec
execute0_lowered:
.L_overlay_start_1:
0x0: {  	(tag) =	ssettag $0x1  }
0x1: {  	s1 =	srdreg.scid;
	s3 =	rddreg [dreg:$0x0]  }
0x2: {  	s0 =	stileid.u32;
	s5 =	rddreg [dreg:$0x1];
	s2 =	simm.s32 $0x0  }
0x3: {  	s8 =	simm.s32 $0x2;
	s26 =	simm.s32 $0x880;
	s9 =	simm.s32 $0x1  }
0x4: {  	s11 =	simm.s32 $0x1880;
	s12 =	simm.s32 $0x2080;
	s13 =	simm.s32 $0x2880  }
0x5: {  	s14 =	simm.s32 $0x3080;
	s15 =	simm.s32 $0x3880;
	s16 =	simm.s32 $0x4080  }
0x6: {  	s17 =	simm.s32 $0x4880;
	s18 =	simm.s32 $0x5080;
	s19 =	simm.s32 $0x5880  }
0x7: {  	s20 =	simm.s32 $0x6080;
	s21 =	simm.s32 $0x6880;
	s22 =	simm.s32 $0x7080  }
0x8: {  	s23 =	simm.s32 $0x7880;
	s24 =	simm.s32 $0x8080;
	s25 =	simm.s32 $0x8880  }
0x9: {  	s28 =	simm.s32 $0x9880;
	s29 =	simm.s32 $0xA080;
	s30 =	simm.s32 $0xA880  }
0xa: {  	s31 =	simm.s32 $0xB080;
	s1 =	sand.u32 $0x1, s1;
	[smem:$0x7FF] =	sst s2  }
0xb: {  	s4 =	sshll.u32 s0, $0x4;
	s6 =	sshll.u32 s1, $0x3;
	_ =	strace $0x80000047  }
0xc: {  	s1 =	ssub.s32 $0x2, s1;
	[dreg:$0x5] =	wrdreg s26;
	s4 =	sor.u32 s6, s4  }
0xd: {  	s7 =	sshrl.u32 s1, $0x1;
	s6 =	sadd.s32 s4, s5;
	s4 =	smul.u32 $0x300, s4  }
0xe: {  	s26 =	simm.s32 $0x9080;
	s1 =	ssub.s32 s1, s7;
	s6 =	sadd.s32 $0x1400, s6  }
0xf: {  	v2 =	vlaneseq.u32;
	s7 =	simm.s32 $0x80;
	[dreg:$0x3] =	wrdreg s6;
	s4 =	sadd.s32 s3, s4  }
0x10: {  	vm0 =	vmmov $0xffff;
	v1 =	vshrl.u32 v2, $0x3;
	s3 =	sadd.s32 $0x1600, s5;
	s6 =	smax.u32 s1, $0x1;
	s1 =	simm.s32 $0xB880  }
0x11: {  	v0 =	vand.u32 $0x7, v2;
	v2 =	vor.u32 $0x8, v2;
	v1 =	vmul.u32 $0x8, v1;
	[dreg:$0x4] =	wrdreg s4;
	s4 =	sadd.s32 $0x1700, s5;
	s5 =	sadd.s32 $0x1800, s5  }
.LBB2_1:
0x12: {  	s0 =	rddreg [dreg:$0x3]  }
0x13: {  	[tilespmem:s2], [sflag:$0x2] =	stream.linear.gather [hbm4b:s0+s2], $0x40, $0x38;
	[tilespmem:$0xC080] =	vst v63  }
0x14: {  	s10 =	rddreg [dreg:$0x4]  }
0x15: {  	[tilespmem:s7], [sflag:$0x1] =	stream.linear.gather [hbm4b:s10+s2], $0xC000, $0x38;
	[tilespmem:$0xC080] =	vst v63  }
0x16: {  	_ =	swait.ge [sflag:s8], $0x40  }
0x17: {  	[sflag:s8] =	ssyncset.done $0x0  }
0x18: {  	[sflag:s8] =	ssyncadd.s32 $0xFFFFFFC0  }
0x19: {  	_ =	swait.ge [sflag:s9], $0xC000  }
0x1a: {  	[sflag:s9] =	ssyncset.done $0x0  }
0x1b: {  	[sflag:s9] =	ssyncadd.s32 $0xFFFF4000  }
0x1c: {  	v3 =	vld [tilespmem:$0x0];
	_ =	sdelay $0x4  }
0x1d: {  	v4 =	vshrl.u32 v3, $0x3  }
0x1e: {  	v4 =	vmul.u32 $0x30, v4  }
0x1f: {  	v3 =	vand.u32 $0x7, v3  }
0x20: {  	v3 =	vor.u32 v3, v4  }
0x21: {  	v4 =	vperm.xlane v3, v0;
	_ =	sdelay $0x1  }
0x22: {  	v4 =	vadd.s32 v1, v4;
	_ =	sdelay $0x3  }
0x23: {  	v3 =	vperm.xlane v3, v2  }
0x24: {  	[hbm4b:s3+s2] =	stream.indirect_vreg.scatter [tilespmem:s7], [sflag:$0x1], $0x80, v4, vm0, $0xb8;
	[tilespmem:$0xC080] =	vst v63  }
0x25: {  	s10 =	rddreg [dreg:$0x5];
	v3 =	vadd.s32 v1, v3  }
0x26: {  	[hbm4b:s4+s2] =	stream.indirect_vreg.scatter [tilespmem:s10], [sflag:$0x1], $0x80, v4, vm0, $0xb8;
	[tilespmem:$0xC080] =	vst v63  }
0x27: {  	s10 =	simm.s32 $0x1080  }
0x28: {  	[hbm4b:s5+s2] =	stream.indirect_vreg.scatter [tilespmem:s10], [sflag:$0x1], $0x80, v4, vm0, $0xb8;
	[tilespmem:$0xC080] =	vst v63  }
0x29: {  	_ = 	snop  }
0x2a: {  	[hbm4b:s3+s2] =	stream.indirect_vreg.scatter [tilespmem:s11], [sflag:$0x1], $0x80, v3, vm0, $0xb8;
	[tilespmem:$0xC080] =	vst v63  }
0x2b: {  	_ = 	snop  }
0x2c: {  	[hbm4b:s4+s2] =	stream.indirect_vreg.scatter [tilespmem:s12], [sflag:$0x1], $0x80, v3, vm0, $0xb8;
	[tilespmem:$0xC080] =	vst v63  }
0x2d: {  	_ = 	snop  }
0x2e: {  	[hbm4b:s5+s2] =	stream.indirect_vreg.scatter [tilespmem:s13], [sflag:$0x1], $0x80, v3, vm0, $0xb8;
	[tilespmem:$0xC080] =	vst v63  }
0x2f: {  	v3 =	vld [tilespmem:$0x10];
	_ =	sdelay $0x4  }
0x30: {  	v61 =	vshrl.u32 v3, $0x3  }
0x31: {  	v4 =	vmul.u32 $0x30, v61  }
0x32: {  	v3 =	vand.u32 $0x7, v3  }
0x33: {  	v3 =	vor.u32 v3, v4  }
0x34: {  	v4 =	vperm.xlane v3, v0;
	_ =	sdelay $0x1  }
0x35: {  	v4 =	vadd.s32 v1, v4;
	_ =	sdelay $0x3  }
0x36: {  	v3 =	vperm.xlane v3, v2  }
0x37: {  	[hbm4b:s3+s2] =	stream.indirect_vreg.scatter [tilespmem:s14], [sflag:$0x1], $0x80, v4, vm0, $0xb8;
	[tilespmem:$0xC080] =	vst v63  }
0x38: {  	v3 =	vadd.s32 v1, v3  }
0x39: {  	[hbm4b:s4+s2] =	stream.indirect_vreg.scatter [tilespmem:s15], [sflag:$0x1], $0x80, v4, vm0, $0xb8;
	[tilespmem:$0xC080] =	vst v63  }
0x3a: {  	_ = 	snop  }
0x3b: {  	[hbm4b:s5+s2] =	stream.indirect_vreg.scatter [tilespmem:s16], [sflag:$0x1], $0x80, v4, vm0, $0xb8;
	[tilespmem:$0xC080] =	vst v63  }
0x3c: {  	_ = 	snop  }
0x3d: {  	[hbm4b:s3+s2] =	stream.indirect_vreg.scatter [tilespmem:s17], [sflag:$0x1], $0x80, v3, vm0, $0xb8;
	[tilespmem:$0xC080] =	vst v63  }
0x3e: {  	_ = 	snop  }
0x3f: {  	[hbm4b:s4+s2] =	stream.indirect_vreg.scatter [tilespmem:s18], [sflag:$0x1], $0x80, v3, vm0, $0xb8;
	[tilespmem:$0xC080] =	vst v63  }
0x40: {  	_ = 	snop  }
0x41: {  	[hbm4b:s5+s2] =	stream.indirect_vreg.scatter [tilespmem:s19], [sflag:$0x1], $0x80, v3, vm0, $0xb8;
	[tilespmem:$0xC080] =	vst v63  }
0x42: {  	v3 =	vld [tilespmem:$0x20];
	_ =	sdelay $0x4  }
0x43: {  	v62 =	vshrl.u32 v3, $0x3  }
0x44: {  	v4 =	vmul.u32 $0x30, v62  }
0x45: {  	v3 =	vand.u32 $0x7, v3  }
0x46: {  	v3 =	vor.u32 v3, v4  }
0x47: {  	v4 =	vperm.xlane v3, v0;
	_ =	sdelay $0x1  }
0x48: {  	v4 =	vadd.s32 v1, v4;
	_ =	sdelay $0x3  }
0x49: {  	v3 =	vperm.xlane v3, v2  }
0x4a: {  	[hbm4b:s3+s2] =	stream.indirect_vreg.scatter [tilespmem:s20], [sflag:$0x1], $0x80, v4, vm0, $0xb8;
	[tilespmem:$0xC080] =	vst v63  }
0x4b: {  	v3 =	vadd.s32 v1, v3  }
0x4c: {  	[hbm4b:s4+s2] =	stream.indirect_vreg.scatter [tilespmem:s21], [sflag:$0x1], $0x80, v4, vm0, $0xb8;
	[tilespmem:$0xC080] =	vst v63  }
0x4d: {  	_ = 	snop  }
0x4e: {  	[hbm4b:s5+s2] =	stream.indirect_vreg.scatter [tilespmem:s22], [sflag:$0x1], $0x80, v4, vm0, $0xb8;
	[tilespmem:$0xC080] =	vst v63  }
0x4f: {  	_ = 	snop  }
0x50: {  	[hbm4b:s3+s2] =	stream.indirect_vreg.scatter [tilespmem:s23], [sflag:$0x1], $0x80, v3, vm0, $0xb8;
	[tilespmem:$0xC080] =	vst v63  }
0x51: {  	_ = 	snop  }
0x52: {  	[hbm4b:s4+s2] =	stream.indirect_vreg.scatter [tilespmem:s24], [sflag:$0x1], $0x80, v3, vm0, $0xb8;
	[tilespmem:$0xC080] =	vst v63  }
0x53: {  	_ = 	snop  }
0x54: {  	[hbm4b:s5+s2] =	stream.indirect_vreg.scatter [tilespmem:s25], [sflag:$0x1], $0x80, v3, vm0, $0xb8;
	[tilespmem:$0xC080] =	vst v63  }
0x55: {  	v3 =	vld [tilespmem:$0x30];
	_ =	sdelay $0x4  }
0x56: {  	v63 =	vshrl.u32 v3, $0x3  }
0x57: {  	v4 =	vmul.u32 $0x30, v63  }
0x58: {  	v3 =	vand.u32 $0x7, v3  }
0x59: {  	v3 =	vor.u32 v3, v4  }
0x5a: {  	v4 =	vperm.xlane v3, v0;
	_ =	sdelay $0x1  }
0x5b: {  	v4 =	vadd.s32 v1, v4;
	_ =	sdelay $0x3  }
0x5c: {  	v3 =	vperm.xlane v3, v2  }
0x5d: {  	[hbm4b:s3+s2] =	stream.indirect_vreg.scatter [tilespmem:s26], [sflag:$0x1], $0x80, v4, vm0, $0xb8;
	[tilespmem:$0xC080] =	vst v63  }
0x5e: {  	v3 =	vadd.s32 v1, v3  }
0x5f: {  	[hbm4b:s4+s2] =	stream.indirect_vreg.scatter [tilespmem:s28], [sflag:$0x1], $0x80, v4, vm0, $0xb8;
	[tilespmem:$0xC080] =	vst v63  }
0x60: {  	_ = 	snop  }
0x61: {  	[hbm4b:s5+s2] =	stream.indirect_vreg.scatter [tilespmem:s29], [sflag:$0x1], $0x80, v4, vm0, $0xb8;
	[tilespmem:$0xC080] =	vst v63  }
0x62: {  	_ = 	snop  }
0x63: {  	[hbm4b:s3+s2] =	stream.indirect_vreg.scatter [tilespmem:s30], [sflag:$0x1], $0x80, v3, vm0, $0xb8;
	[tilespmem:$0xC080] =	vst v63  }
0x64: {  	p0 =	sne.s32 s6, $0x1  }
0x65: {  	[hbm4b:s4+s2] =	stream.indirect_vreg.scatter [tilespmem:s31], [sflag:$0x1], $0x80, v3, vm0, $0xb8;
	[tilespmem:$0xC080] =	vst v63  }
.Ltmp0:
0x66: {  	_ = 	snop;
	(pc) =	sbr.rel @p0 .LBB2_1-.Ltmp0, $4  }
0x67: {  	[hbm4b:s5+s2] =	stream.indirect_vreg.scatter [tilespmem:s1], [sflag:$0x1], $0x80, v3, vm0, $0xb8;
	[tilespmem:$0xC080] =	vst v63  }
0x68: {  	_ =	swait.ge [sflag:s9], $0xC000  }
0x69: {  	[sflag:s9] =	ssyncset.done $0x0  }
0x6a: {  	s6 =	sadd.s32 $0xFFFFFFFF, s6;
	[sflag:s9] =	ssyncadd.s32 $0xFFFF4000  }
0x6b: {  	_ =	sfence.sel $0x180000  }
0x6c: {  	[bflag:$0x0] =	sbarrier.arrive $0xFFFF  }
0x6d: {  	_ =	strace $0x90000047  }
0x6e: {  	s0 =	stileid.u32;
	[bflag:$0x2] =	sbarrier.arrive $0xFFFF  }
0x6f: {  	p0 =	sne.s32 s0, $0x0;
	s0 =	rddreg [dreg:$0x2]  }
0x70: {  	s0 =	sadd.s32 @!p0 $0x100000, s0  }
0x71: {  	[sflag:s0] =	ssyncadd.tile.s32 @!p0 $0x1;
	_ =	shalt  }
.Lfunc_end2:
_tile_overlayer_lowered:
.L_overlay_start_2:
0x72: {  	(tag) =	ssettag $0x2  }
0x73: {  	s0 =	rddreg [dreg:$0x0];
	s2 =	stileid.u32  }
0x74: {  	s1 =	rddreg [dreg:$0x1];
	p0 =	sne.s32 s2, $0x0  }
0x75: {  	s3 =	rddreg [dreg:$0x2];
	[bflag:$0x3] =	sbarrier.arrive $0xFFFF;
	s2 =	simm.s32 @!p0 $0x1C03  }
0x76: {  	[timem:s3], [sflag:s2] =	dma.local @!p0 [hbm:s0], s1  }
0x77: {  	s0 =	simm.s32 @!p0 $0x3  }
0x78: {  	_ =	swait.ge @!p0 [sflag:s0], s1  }
0x79: {  	s1 =	ssub.s32 @!p0 $0x0, s1;
	[sflag:s0] =	ssyncset.done @!p0 $0x0  }
0x7a: {  	[sflag:s0] =	ssyncadd.s32 @!p0 s1  }
0x7b: {  	[bflag:$0x3] =	sbarrier.arrive $0xFFFF  }
0x7c: {  	_ =	shalt  }

// kernel: kernel.9.cloned.1.call-start
scs
__scs_entry_jumppad:
0x0: {  	(pc) =	sbr.rel $0x88, $3  }
0x1: {  	(tag) =	ssettag $0x0;
	lr =	simm.s32 $0x1  }
0x2: {  	[smem:$0x3F9D] =	sst lr;
	_ =	strace $0xD0000000  }
0x3: {  	_ = 	snop  }
0x4: {  	_ = 	snop  }
0x5: {  	_ = 	snop  }
0x6: {  	_ = 	snop  }
0x7: {  	_ = 	snop  }
__scs_overlays_trampoline_lowered:
0x8: {  	[smem:$0x3FAC] =	sst s0  }
0x9: {  	[smem:$0x3FAD] =	sst s1  }
0xa: {  	[smem:$0x3FAE] =	sst s2  }
0xb: {  	[smem:$0x3FAF] =	sst s3  }
0xc: {  	[smem:$0x3FB0] =	sst s4  }
0xd: {  	[smem:$0x3FB1] =	sst s5  }
0xe: {  	[smem:$0x3FB2] =	sst s6  }
0xf: {  	[smem:$0x3FB3] =	sst s7  }
0x10: {  	[smem:$0x3FB4] =	sst s8  }
0x11: {  	[smem:$0x3FB5] =	sst s9;
	s0 =	simm.s32 @!p0 $0x0  }
0x12: {  	s1 =	sld [smem:$0x3F9B];
	s0 =	simm.s32 @p0 $0x1  }
0x13: {  	[smem:$0x3FB6] =	sst s0;
	s0 =	simm.s32 @!p1 $0x0  }
0x14: {  	s2 =	sld [smem:$0x3F9A];
	s0 =	simm.s32 @p1 $0x1  }
0x15: {  	[smem:$0x3FB7] =	sst s0;
	s0 =	simm.s32 @!p2 $0x0  }
0x16: {  	s3 =	sld [smem:$0x3FDB];
	s0 =	simm.s32 @p2 $0x1  }
0x17: {  	s4 =	simm.s32 $0x1BF5;
	[smem:$0x3FB9] =	sst s0  }
0x18: {  	s0 =	sld [smem:$0x3F9C];
	_ =	swait.ge [sflag:s4], $0x0  }
0x19: {  	s7 =	sld [smem:$0x3F9D]  }
0x1a: {  	s8 =	sadd.s32 $0xFFFFE003, lr  }
0x1b: {  	s9 =	sadd.s32 $0xFFFFFEF7, lr;
	s5 =	simm.s32 $0xFFFFFFFF;
	p2 =	slt.u32 s8, $0xFFFFF086  }
0x1c: {  	p1 =	slt.u32 s9, $0xF7A;
	s5 =	simm.s32 @!p2 $0x0  }
0x1d: {  	s5 =	simm.s32 @p1 $0x1;
	p0 =	seq.s32 s7, s2  }
0x1e: {  	s7 =	smul.u32 @!p0 $0xF7A, s2;
	p2 =	seq.s32 @!p0 s5, $0x0  }
0x1f: {  	s9 =	smul.u32 $0xF7A, s1;
	s8 =	simm.s32 @!p0 $0x1BF5;
	p2 =	por !p2, p0  }
0x20: {  	[sflag:s8] =	ssyncset.s32 @!p0 $0xFFFFF086;
	s6 =	sadd.s32 @!p0 s3, s7;
	s7 =	simm.s32 @!p0 $0x108  }
0x21: {  	s3 =	sadd.s32 s3, s9;
	s6 =	sadd.s32 @!p0 $0x88, s6;
	s7 =	simm.s32 @p2 $0x1082  }
0x22: {  	[simem:s7], [sflag:s8] =	dma.local @!p0 [hbm:s6], $0xF7A  }
0x23: {  	s9 =	sor.u32 $0xD0000000, s2;
	s6 =	simm.s32 $0x108;
	_ =	swait.ge @!p0 [sflag:s8], $0x0  }
0x24: {  	s3 =	sadd.s32 $0x88, s3;
	s6 =	simm.s32 @!p1 $0x1082;
	[sflag:s4] =	ssyncset.s32 $0xFFFFF086  }
0x25: {  	[simem:s6], [sflag:s4] =	dma.local [hbm:s3], $0xF7A  }
0x26: {  	[smem:$0x3F9D] =	sst s1;
	(tag) =	ssettag s2;
	_ =	strace s9  }
0x27: {  	s1 =	sld [smem:$0x3FAD]  }
0x28: {  	s2 =	sld [smem:$0x3FAE]  }
0x29: {  	s4 =	sld [smem:$0x3FB0]  }
0x2a: {  	p0 =	seq.s32 s5, $0x0;
	s5 =	sld [smem:$0x3FB1]  }
0x2b: {  	s6 =	sld [smem:$0x3FB2]  }
0x2c: {  	s7 =	sld [smem:$0x3FB3]  }
0x2d: {  	s3 =	simm.s32 $0x108;
	s8 =	sld [smem:$0x3FB4]  }
0x2e: {  	s3 =	simm.s32 @!p0 $0x1082;
	s9 =	sld [smem:$0x3FB5]  }
0x2f: {  	lr =	sadd.s32 s0, s3;
	s0 =	sld [smem:$0x3FAC]  }
0x30: {  	s3 =	sld [smem:$0x3FAF]  }
0x31: {  	[smem:$0x3FB8] =	sst s10  }
0x32: {  	s10 =	sld [smem:$0x3FB6];
	_ =	sdelay $0x3  }
0x33: {  	p0 =	seq.s32 s10, $0x1;
	s10 =	sld [smem:$0x3FB8];
	_ =	sdelay $0x3  }
0x34: {  	[smem:$0x3FB8] =	sst s10  }
0x35: {  	s10 =	sld [smem:$0x3FB7];
	_ =	sdelay $0x3  }
0x36: {  	p1 =	seq.s32 s10, $0x1;
	s10 =	sld [smem:$0x3FB8];
	_ =	sdelay $0x3  }
0x37: {  	[smem:$0x3FB8] =	sst s10  }
0x38: {  	s10 =	sld [smem:$0x3FB9]  }
0x39: {  	_ = 	snop;
	(pc) =	sbr.ind lr, $3  }
0x3a: {  	_ = 	snop  }
0x3b: {  	_ = 	snop  }
0x3c: {  	p2 =	seq.s32 s10, $0x1;
	s10 =	sld [smem:$0x3FB8]  }
0x3d: {  	_ =	shalt  }
0x3e: {  	_ =	shalt  }
0x3f: {  	_ =	shalt  }
0x40: {  	_ =	shalt  }
0x41: {  	_ =	shalt  }
0x42: {  	_ =	shalt  }
0x43: {  	_ =	shalt  }
0x44: {  	_ =	shalt  }
0x45: {  	_ =	shalt  }
0x46: {  	_ =	shalt  }
0x47: {  	_ =	shalt  }
0x48: {  	_ =	shalt  }
0x49: {  	_ =	shalt  }
0x4a: {  	_ =	shalt  }
0x4b: {  	_ =	shalt  }
0x4c: {  	_ =	shalt  }
0x4d: {  	_ =	shalt  }
0x4e: {  	_ =	shalt  }
0x4f: {  	_ =	shalt  }
0x50: {  	_ =	shalt  }
0x51: {  	_ =	shalt  }
0x52: {  	_ =	shalt  }
0x53: {  	_ =	shalt  }
0x54: {  	_ =	shalt  }
0x55: {  	_ =	shalt  }
0x56: {  	_ =	shalt  }
0x57: {  	_ =	shalt  }
0x58: {  	_ =	shalt  }
0x59: {  	_ =	shalt  }
0x5a: {  	_ =	shalt  }
0x5b: {  	_ =	shalt  }
0x5c: {  	_ =	shalt  }
0x5d: {  	_ =	shalt  }
0x5e: {  	_ =	shalt  }
0x5f: {  	_ =	shalt  }
0x60: {  	_ =	shalt  }
0x61: {  	_ =	shalt  }
0x62: {  	_ =	shalt  }
0x63: {  	_ =	shalt  }
0x64: {  	_ =	shalt  }
0x65: {  	_ =	shalt  }
0x66: {  	_ =	shalt  }
0x67: {  	_ =	shalt  }
0x68: {  	_ =	shalt  }
0x69: {  	_ =	shalt  }
0x6a: {  	_ =	shalt  }
0x6b: {  	_ =	shalt  }
0x6c: {  	_ =	shalt  }
0x6d: {  	_ =	shalt  }
0x6e: {  	_ =	shalt  }
0x6f: {  	_ =	shalt  }
0x70: {  	_ =	shalt  }
0x71: {  	_ =	shalt  }
0x72: {  	_ =	shalt  }
0x73: {  	_ =	shalt  }
0x74: {  	_ =	shalt  }
0x75: {  	_ =	shalt  }
0x76: {  	_ =	shalt  }
0x77: {  	_ =	shalt  }
0x78: {  	_ =	shalt  }
0x79: {  	_ =	shalt  }
0x7a: {  	_ =	shalt  }
0x7b: {  	_ =	shalt  }
0x7c: {  	_ =	shalt  }
0x7d: {  	_ =	shalt  }
0x7e: {  	_ =	shalt  }
0x7f: {  	_ =	shalt  }
0x80: {  	_ =	shalt  }
0x81: {  	_ =	shalt  }
0x82: {  	_ =	shalt  }
0x83: {  	_ =	shalt  }
0x84: {  	_ =	shalt  }
0x85: {  	_ =	shalt  }
0x86: {  	_ =	shalt  }
0x87: {  	_ =	shalt  }
.Lfunc_end0:
.L_simem_size_0:
called_computation.1_lowered:
.L_overlay_start_0:
0x88: {  	s2 =	sld [smem:$0x3FD9]  }
0x89: {  	s3 =	sld [smem:$0x3FFE];
	_ =	sdelay $0x1  }
0x8a: {  	s1 =	srdreg.scid  }
0x8b: {  	s0 =	sand.u32 $0x1, s1  }
0x8c: {  	s17 =	sshll.u32 s0, $0xA;
	s2 =	sadd.s32 s3, s2  }
0x8d: {  	s2 =	sadd.s32 s2, s17  }
0x8e: {  	[smem:$0x3FC4] =	sst s2  }
0x8f: {  	_ = 	snop  }
0x90: {  	s2 =	sld [smem:$0x3FD0];
	(tm) =	ssettm $0x1  }
0x91: {  	s18 =	sld [smem:$0x3FFB];
	_ =	sdelay $0x3  }
0x92: {  	_ =	strace s18  }
0x93: {  	s3 =	sld [smem:$0x3FFC];
	_ =	sdelay $0x3  }
0x94: {  	_ =	strace s3  }
0x95: {  	s3 =	sld [smem:$0x3FFD];
	_ =	sdelay $0x3  }
0x96: {  	_ =	strace s3  }
0x97: {  	_ =	strace $0x8FFFFFFF  }
0x98: {  	s19 =	sld [smem:$0x3FDB];
	_ =	sdelay $0x1  }
0x99: {  	s4 =	simm.s32 $_scs_section_size  }
0x9a: {  	s5 =	simm.s32 $_size__tile_overlayer_lowered;
	s6 =	simm.s32 $_tile_overlayer_lowered  }
0x9b: {  	s22 =	simm.s32 $0x1BFF;
	s21 =	sshll.u32 s6, $0x1;
	s3 =	sadd.s32 s4, s19  }
0x9c: {  	s7 =	simm.s32 $0x0;
	s20 =	sshll.u32 s5, $0x1;
	s5 =	sadd.s32 s21, s3  }
0x9d: {  	[timem:s7], [sflag:s22] =	dma.local [hbm:s5], s20  }
0x9e: {  	_ =	swait.ge [sflag:s22], s20  }
0x9f: {  	s4 =	ssub.s32 $0x0, s20;
	[sflag:s22] =	ssyncset.done $0x0  }
0xa0: {  	[sflag:s22] =	ssyncadd.s32 s4;
	_ =	sdelay $0x1  }
0xa1: {  	s23 =	simm.s32 $0x1B8B  }
0xa2: {  	_ =	swait.ge [sflag:s23], $0x1  }
0xa3: {  	[sflag:s23] =	ssyncset.done $0x0  }
0xa4: {  	s25 =	simm.s32 $0x1B8E;
	s24 =	sld [smem:$0x3FFE];
	[sflag:s23] =	ssyncadd.s32 $0xFFFFFFFF  }
0xa5: {  	s26 =	simm.s32 $execute0_lowered;
	[smem:$0x3FD2] =	sst s25  }
0xa6: {  	s5 =	sshll.u32 s26, $0x1;
	_ =	strace $0x80000049;
	[dreg:$0x1] =	wrdreg $0xFFFFFFFF  }
0xa7: {  	s28 =	simm.s32 $_size_execute0_lowered;
	s3 =	sadd.s32 s3, s5;
	[dreg:$0x0] =	wrdreg $0x0  }
0xa8: {  	s5 =	sshll.u32 s28, $0x1;
	[dreg:$0x2] =	wrdreg s3  }
0xa9: {  	[dreg:$0x3] =	wrdreg s5  }
0xaa: {  	[dreg:$0x4] =	wrdreg $0xC0  }
0xab: {  	_ =	task [dreg:s7], $0x5FFFF  }
0xac: {  	[dreg:$0x1] =	wrdreg $0xFFFFFFFF  }
0xad: {  	[dreg:$0x0] =	wrdreg $0x60  }
0xae: {  	[dreg:$0x2] =	wrdreg s24  }
0xaf: {  	[dreg:$0x3] =	wrdreg s2  }
0xb0: {  	[dreg:$0x4] =	wrdreg $0x9  }
0xb1: {  	_ =	task.clear_ibuf [dreg:s7], $0x5FFFF;
	_ =	strace $0x90000049  }
0xb2: {  	s29 =	simm.s32 $0x9;
	_ =	strace $0x8000004B  }
0xb3: {  	_ =	swait.ge [sflag:s29], $0x1  }
0xb4: {  	[sflag:s29] =	ssyncadd.s32 $0xFFFFFFFF  }
0xb5: {  	_ =	strace $0x9000004B  }
0xb6: {  	_ =	sfence  }
0xb7: {  	s30 =	sld [smem:$0x0];
	_ =	sdelay $0x2  }
0xb8: {  	s31 =	sshll.u32 s1, $0xD;
	s1 =	sshrl.u32 s1, $0x2  }
0xb9: {  	s3 =	sand.u32 $0x4000, s31;
	s1 =	sadd.s32 s1, s30  }
0xba: {  	s0 =	sor.u32 s3, s0;
	s1 =	sshll.u32 s1, $0x11  }
0xbb: {  	s0 =	sor.u32 s1, s0  }
0xbc: {  	s0 =	sadd.s32 $0x8F2B, s0  }
0xbd: {  	[sflag:s0] =	ssyncadd.remote.s32 $0x1  }
0xbe: {  	_ =	sfence.sel $0xFFFF  }
0xbf: {  	[dreg:$0x0] =	wrdreg $0xFFFFFFFF;
	(pc) =	sbr.abs _section_cstart, $3  }
0xc0: {  	[dreg:$0x1] =	wrdreg $0xFFFFFFFF  }
0xc1: {  	_ =	task.clear_ibuf [dreg:s7], $0x2FFFF;
	_ =	strace $0x9FFFFFFF  }
0xc2: {  	(tm) =	ssettm $0x7FFFFFFF  }
0xc3: {  	_ =	shalt  }
tec
execute0_lowered:
.L_overlay_start_1:
0x0: {  	(tag) =	ssettag $0x1  }
0x1: {  	s0 =	rddreg [dreg:$0x0]  }
0x2: {  	s5 =	rddreg [dreg:$0x1];
	s3 =	srdreg.scid  }
0x3: {  	s2 =	simm.s32 $0x0;
	s1 =	stileid.u32;
	s26 =	simm.s32 $0x880  }
0x4: {  	s10 =	simm.s32 $0x1880;
	s11 =	simm.s32 $0x2080;
	s12 =	simm.s32 $0x2880  }
0x5: {  	s13 =	simm.s32 $0x3080;
	s14 =	simm.s32 $0x3880;
	s15 =	simm.s32 $0x4080  }
0x6: {  	s16 =	simm.s32 $0x4880;
	s17 =	simm.s32 $0x5080;
	s18 =	simm.s32 $0x5880  }
0x7: {  	s19 =	simm.s32 $0x6080;
	s20 =	simm.s32 $0x6880;
	s21 =	simm.s32 $0x7080  }
0x8: {  	s22 =	simm.s32 $0x7880;
	s28 =	simm.s32 $0xA080;
	s29 =	simm.s32 $0xA880  }
0x9: {  	s30 =	simm.s32 $0xB080;
	s31 =	simm.s32 $0xB880;
	s3 =	sand.u32 $0x1, s3  }
0xa: {  	[smem:$0x7FF] =	sst s2;
	s4 =	sshll.u32 s1, $0x4;
	s6 =	sshll.u32 s3, $0x3  }
0xb: {  	_ =	strace $0x8000004A;
	s23 =	ssub.s32 $0x2, s3;
	s3 =	sadd.s32 $0x1600, s0  }
0xc: {  	[dreg:$0x5] =	wrdreg s26;
	s26 =	simm.s32 $0x9880;
	s4 =	sor.u32 s6, s4  }
0xd: {  	s8 =	sshrl.u32 s23, $0x1;
	s7 =	sadd.s32 s4, s0;
	s9 =	smul.u32 $0x300, s4  }
0xe: {  	s6 =	ssub.s32 s23, s8;
	s4 =	sadd.s32 $0x1700, s0;
	s8 =	simm.s32 $0x80  }
0xf: {  	s23 =	simm.s32 $0x8080;
	s24 =	sadd.s32 $0x1400, s7;
	s6 =	smax.u32 s6, $0x1  }
0x10: {  	v2 =	vlaneseq.u32;
	s7 =	simm.s32 $0x2;
	[dreg:$0x3] =	wrdreg s24;
	s25 =	sadd.s32 s5, s9  }
0x11: {  	vm0 =	vmmov $0xffff;
	v1 =	vshrl.u32 v2, $0x3;
	s5 =	sadd.s32 $0x1800, s0;
	s9 =	simm.s32 $0x1080;
	s24 =	simm.s32 $0x8880  }
0x12: {  	v0 =	vand.u32 $0x7, v2;
	v2 =	vor.u32 $0x8, v2;
	v1 =	vmul.u32 $0x8, v1;
	s0 =	simm.s32 $0x1;
	[dreg:$0x4] =	wrdreg s25;
	s25 =	simm.s32 $0x9080  }
.LBB2_1:
0x13: {  	s1 =	rddreg [dreg:$0x3]  }
0x14: {  	[tilespmem:s2], [sflag:$0x2] =	stream.linear.gather [hbm4b:s1+s2], $0x40, $0x38;
	[tilespmem:$0xC080] =	vst v63  }
0x15: {  	_ =	swait.ge [sflag:s7], $0x40  }
0x16: {  	[sflag:s7] =	ssyncset.done $0x0  }
0x17: {  	[sflag:s7] =	ssyncadd.s32 $0xFFFFFFC0  }
0x18: {  	v3 =	vld [tilespmem:$0x0];
	_ =	sdelay $0x4  }
0x19: {  	v4 =	vshrl.u32 v3, $0x3  }
0x1a: {  	v4 =	vmul.u32 $0x30, v4  }
0x1b: {  	v3 =	vand.u32 $0x7, v3  }
0x1c: {  	v3 =	vor.u32 v3, v4  }
0x1d: {  	v4 =	vperm.xlane v3, v0;
	_ =	sdelay $0x1  }
0x1e: {  	v4 =	vadd.s32 v1, v4;
	_ =	sdelay $0x3  }
0x1f: {  	v3 =	vperm.xlane v3, v2  }
0x20: {  	[tilespmem:s8], [sflag:$0x1] =	stream.indirect_vreg.gather [hbm4b:s3+s2], $0x80, v4, vm0, $0xb8;
	[tilespmem:$0xC080] =	vst v63  }
0x21: {  	s1 =	rddreg [dreg:$0x5];
	v3 =	vadd.s32 v1, v3  }
0x22: {  	[tilespmem:s1], [sflag:$0x1] =	stream.indirect_vreg.gather [hbm4b:s4+s2], $0x80, v4, vm0, $0xb8;
	[tilespmem:$0xC080] =	vst v63  }
0x23: {  	_ = 	snop  }
0x24: {  	[tilespmem:s9], [sflag:$0x1] =	stream.indirect_vreg.gather [hbm4b:s5+s2], $0x80, v4, vm0, $0xb8;
	[tilespmem:$0xC080] =	vst v63  }
0x25: {  	_ = 	snop  }
0x26: {  	[tilespmem:s10], [sflag:$0x1] =	stream.indirect_vreg.gather [hbm4b:s3+s2], $0x80, v3, vm0, $0xb8;
	[tilespmem:$0xC080] =	vst v63  }
0x27: {  	_ = 	snop  }
0x28: {  	[tilespmem:s11], [sflag:$0x1] =	stream.indirect_vreg.gather [hbm4b:s4+s2], $0x80, v3, vm0, $0xb8;
	[tilespmem:$0xC080] =	vst v63  }
0x29: {  	_ = 	snop  }
0x2a: {  	[tilespmem:s12], [sflag:$0x1] =	stream.indirect_vreg.gather [hbm4b:s5+s2], $0x80, v3, vm0, $0xb8;
	[tilespmem:$0xC080] =	vst v63  }
0x2b: {  	v3 =	vld [tilespmem:$0x10];
	_ =	sdelay $0x4  }
0x2c: {  	v61 =	vshrl.u32 v3, $0x3  }
0x2d: {  	v4 =	vmul.u32 $0x30, v61  }
0x2e: {  	v3 =	vand.u32 $0x7, v3  }
0x2f: {  	v3 =	vor.u32 v3, v4  }
0x30: {  	v4 =	vperm.xlane v3, v0;
	_ =	sdelay $0x1  }
0x31: {  	v4 =	vadd.s32 v1, v4;
	_ =	sdelay $0x3  }
0x32: {  	v3 =	vperm.xlane v3, v2  }
0x33: {  	[tilespmem:s13], [sflag:$0x1] =	stream.indirect_vreg.gather [hbm4b:s3+s2], $0x80, v4, vm0, $0xb8;
	[tilespmem:$0xC080] =	vst v63  }
0x34: {  	v3 =	vadd.s32 v1, v3  }
0x35: {  	[tilespmem:s14], [sflag:$0x1] =	stream.indirect_vreg.gather [hbm4b:s4+s2], $0x80, v4, vm0, $0xb8;
	[tilespmem:$0xC080] =	vst v63  }
0x36: {  	_ = 	snop  }
0x37: {  	[tilespmem:s15], [sflag:$0x1] =	stream.indirect_vreg.gather [hbm4b:s5+s2], $0x80, v4, vm0, $0xb8;
	[tilespmem:$0xC080] =	vst v63  }
0x38: {  	_ = 	snop  }
0x39: {  	[tilespmem:s16], [sflag:$0x1] =	stream.indirect_vreg.gather [hbm4b:s3+s2], $0x80, v3, vm0, $0xb8;
	[tilespmem:$0xC080] =	vst v63  }
0x3a: {  	_ = 	snop  }
0x3b: {  	[tilespmem:s17], [sflag:$0x1] =	stream.indirect_vreg.gather [hbm4b:s4+s2], $0x80, v3, vm0, $0xb8;
	[tilespmem:$0xC080] =	vst v63  }
0x3c: {  	_ = 	snop  }
0x3d: {  	[tilespmem:s18], [sflag:$0x1] =	stream.indirect_vreg.gather [hbm4b:s5+s2], $0x80, v3, vm0, $0xb8;
	[tilespmem:$0xC080] =	vst v63  }
0x3e: {  	v3 =	vld [tilespmem:$0x20];
	_ =	sdelay $0x4  }
0x3f: {  	v62 =	vshrl.u32 v3, $0x3  }
0x40: {  	v4 =	vmul.u32 $0x30, v62  }
0x41: {  	v3 =	vand.u32 $0x7, v3  }
0x42: {  	v3 =	vor.u32 v3, v4  }
0x43: {  	v4 =	vperm.xlane v3, v0;
	_ =	sdelay $0x1  }
0x44: {  	v4 =	vadd.s32 v1, v4;
	_ =	sdelay $0x3  }
0x45: {  	v3 =	vperm.xlane v3, v2  }
0x46: {  	[tilespmem:s19], [sflag:$0x1] =	stream.indirect_vreg.gather [hbm4b:s3+s2], $0x80, v4, vm0, $0xb8;
	[tilespmem:$0xC080] =	vst v63  }
0x47: {  	v3 =	vadd.s32 v1, v3  }
0x48: {  	[tilespmem:s20], [sflag:$0x1] =	stream.indirect_vreg.gather [hbm4b:s4+s2], $0x80, v4, vm0, $0xb8;
	[tilespmem:$0xC080] =	vst v63  }
0x49: {  	_ = 	snop  }
0x4a: {  	[tilespmem:s21], [sflag:$0x1] =	stream.indirect_vreg.gather [hbm4b:s5+s2], $0x80, v4, vm0, $0xb8;
	[tilespmem:$0xC080] =	vst v63  }
0x4b: {  	_ = 	snop  }
0x4c: {  	[tilespmem:s22], [sflag:$0x1] =	stream.indirect_vreg.gather [hbm4b:s3+s2], $0x80, v3, vm0, $0xb8;
	[tilespmem:$0xC080] =	vst v63  }
0x4d: {  	_ = 	snop  }
0x4e: {  	[tilespmem:s23], [sflag:$0x1] =	stream.indirect_vreg.gather [hbm4b:s4+s2], $0x80, v3, vm0, $0xb8;
	[tilespmem:$0xC080] =	vst v63  }
0x4f: {  	_ = 	snop  }
0x50: {  	[tilespmem:s24], [sflag:$0x1] =	stream.indirect_vreg.gather [hbm4b:s5+s2], $0x80, v3, vm0, $0xb8;
	[tilespmem:$0xC080] =	vst v63  }
0x51: {  	v3 =	vld [tilespmem:$0x30];
	_ =	sdelay $0x4  }
0x52: {  	v63 =	vshrl.u32 v3, $0x3  }
0x53: {  	v4 =	vmul.u32 $0x30, v63  }
0x54: {  	v3 =	vand.u32 $0x7, v3  }
0x55: {  	v3 =	vor.u32 v3, v4  }
0x56: {  	v4 =	vperm.xlane v3, v0;
	_ =	sdelay $0x1  }
0x57: {  	v4 =	vadd.s32 v1, v4;
	_ =	sdelay $0x3  }
0x58: {  	v3 =	vperm.xlane v3, v2  }
0x59: {  	[tilespmem:s25], [sflag:$0x1] =	stream.indirect_vreg.gather [hbm4b:s3+s2], $0x80, v4, vm0, $0xb8;
	[tilespmem:$0xC080] =	vst v63  }
0x5a: {  	v3 =	vadd.s32 v1, v3  }
0x5b: {  	[tilespmem:s26], [sflag:$0x1] =	stream.indirect_vreg.gather [hbm4b:s4+s2], $0x80, v4, vm0, $0xb8;
	[tilespmem:$0xC080] =	vst v63  }
0x5c: {  	_ = 	snop  }
0x5d: {  	[tilespmem:s28], [sflag:$0x1] =	stream.indirect_vreg.gather [hbm4b:s5+s2], $0x80, v4, vm0, $0xb8;
	[tilespmem:$0xC080] =	vst v63  }
0x5e: {  	_ = 	snop  }
0x5f: {  	[tilespmem:s29], [sflag:$0x1] =	stream.indirect_vreg.gather [hbm4b:s3+s2], $0x80, v3, vm0, $0xb8;
	[tilespmem:$0xC080] =	vst v63  }
0x60: {  	_ = 	snop  }
0x61: {  	[tilespmem:s30], [sflag:$0x1] =	stream.indirect_vreg.gather [hbm4b:s4+s2], $0x80, v3, vm0, $0xb8;
	[tilespmem:$0xC080] =	vst v63  }
0x62: {  	_ = 	snop  }
0x63: {  	[tilespmem:s31], [sflag:$0x1] =	stream.indirect_vreg.gather [hbm4b:s5+s2], $0x80, v3, vm0, $0xb8;
	[tilespmem:$0xC080] =	vst v63  }
0x64: {  	_ =	swait.ge [sflag:s0], $0xC000  }
0x65: {  	p0 =	sne.s32 s6, $0x1;
	[sflag:s0] =	ssyncset.done $0x0  }
.Ltmp0:
0x66: {  	s1 =	rddreg [dreg:$0x4];
	[sflag:s0] =	ssyncadd.s32 $0xFFFF4000;
	(pc) =	sbr.rel @p0 .LBB2_1-.Ltmp0, $4  }
0x67: {  	[hbm4b:s1+s2] =	stream.linear.scatter [tilespmem:s8], [sflag:$0x2], $0xC000, $0x38;
	[tilespmem:$0xC080] =	vst v63  }
0x68: {  	_ =	swait.ge [sflag:s7], $0xC000  }
0x69: {  	[sflag:s7] =	ssyncset.done $0x0  }
0x6a: {  	s6 =	sadd.s32 $0xFFFFFFFF, s6;
	[sflag:s7] =	ssyncadd.s32 $0xFFFF4000  }
0x6b: {  	_ =	sfence.sel $0x180000  }
0x6c: {  	[bflag:$0x0] =	sbarrier.arrive $0xFFFF  }
0x6d: {  	_ =	strace $0x9000004A  }
0x6e: {  	s0 =	stileid.u32;
	[bflag:$0x2] =	sbarrier.arrive $0xFFFF  }
0x6f: {  	p0 =	sne.s32 s0, $0x0;
	s0 =	rddreg [dreg:$0x2]  }
0x70: {  	s0 =	sadd.s32 @!p0 $0x100000, s0  }
0x71: {  	[sflag:s0] =	ssyncadd.tile.s32 @!p0 $0x1;
	_ =	shalt  }
.Lfunc_end2:
_tile_overlayer_lowered:
.L_overlay_start_2:
0x72: {  	(tag) =	ssettag $0x2  }
0x73: {  	s0 =	rddreg [dreg:$0x0];
	s2 =	stileid.u32  }
0x74: {  	s1 =	rddreg [dreg:$0x1];
	p0 =	sne.s32 s2, $0x0  }
0x75: {  	s3 =	rddreg [dreg:$0x2];
	[bflag:$0x3] =	sbarrier.arrive $0xFFFF;
	s2 =	simm.s32 @!p0 $0x1C02  }
0x76: {  	[timem:s3], [sflag:s2] =	dma.local @!p0 [hbm:s0], s1  }
0x77: {  	s0 =	simm.s32 @!p0 $0x2  }
0x78: {  	_ =	swait.ge @!p0 [sflag:s0], s1  }
0x79: {  	s1 =	ssub.s32 @!p0 $0x0, s1;
	[sflag:s0] =	ssyncset.done @!p0 $0x0  }
0x7a: {  	[sflag:s0] =	ssyncadd.s32 @!p0 s1  }
0x7b: {  	[bflag:$0x3] =	sbarrier.arrive $0xFFFF  }
0x7c: {  	_ =	shalt  }

</sc_bundles>
